<compile_context>
chip_gen: v7x
topology: tpu7x:2x2x1
jax: 0.10.2.dev20260603
libtpu: 0.0.44.dev20260713+nightly
codegen_flags: <defaults>
</compile_context>

<pallas_src>
import jax
import jax.numpy as jnp
from jax import lax
from jax.experimental import pallas as pl
from jax.experimental.pallas import tpu as pltpu
from jax.experimental.pallas import tpu_sc as plsc

BATCH = 16384
DIM = 128
HALF = 64
NUM_REL = 1000
REL_PAD = 1024
NUM_CORES = 2
NUM_SUBCORES = 16
NW = NUM_CORES * NUM_SUBCORES
BPW = BATCH // NW
CHUNK = 64
NCHUNK = BPW // CHUNK
NBUF = 4
LANES = 16
GROUPS = CHUNK // LANES
ROWS_PER_TILE = REL_PAD // NUM_SUBCORES

SIN_C = (0.9999999994719342, -0.16666666108663977, 0.008333323685543554,
         -0.0001984064754666513, 2.753825802531482e-06,
         -2.4752168834593527e-08, 1.3697465917730872e-10)
COS_C = (0.9999999922757512, -0.49999991772896246, 0.04166652436540844,
         -0.001388797040957087, 2.4773424145525923e-05,
         -2.711337275155951e-07, 1.7369132070439545e-09)


def _sc_body(heads, rels, tails, ent, phase, out,
             hidx, ridx, tidx, hb, tb, cb, pv, csl, trb, ob, scs,
             semi, seme, semc):
    cid = lax.axis_index("c")
    sid = lax.axis_index("s")
    wid = sid * NUM_CORES + cid
    base = wid * BPW

    idx_cps = [
        pltpu.async_copy(heads.at[pl.ds(base, BPW)], hidx, semi),
        pltpu.async_copy(rels.at[pl.ds(base, BPW)], ridx, semi),
        pltpu.async_copy(tails.at[pl.ds(base, BPW)], tidx, semi),
    ]

    row0 = sid * ROWS_PER_TILE

    @pl.when(sid < NUM_SUBCORES - 1)
    def _():
        pltpu.sync_copy(phase.at[pl.ds(row0, ROWS_PER_TILE)],
                        pv.at[pl.ds(0, ROWS_PER_TILE)])

    @pl.when(sid == NUM_SUBCORES - 1)
    def _():
        tail_rows = NUM_REL - (NUM_SUBCORES - 1) * ROWS_PER_TILE
        pltpu.sync_copy(phase.at[pl.ds(row0, tail_rows)],
                        pv.at[pl.ds(0, tail_rows)])

    for cp in idx_cps:
        cp.wait()

    def ent_copies(g, b):
        sl = pl.ds(g * CHUNK, CHUNK)
        return [
            pltpu.make_async_copy(ent.at[hidx.at[sl]], hb.at[b], seme.at[b]),
            pltpu.make_async_copy(ent.at[tidx.at[sl]], tb.at[b], seme.at[b]),
        ]

    def cs_copies(g, b):
        sl = pl.ds(g * CHUNK, CHUNK)
        return [
            pltpu.make_async_copy(scs.at[ridx.at[sl]], cb.at[b], semc.at[b]),
        ]

    for g in range(NBUF):
        for cp in ent_copies(g, g):
            cp.start()

    def tbl_body(r, carry):
        for c4 in range(HALF // LANES):
            d = c4 * LANES
            x = pv[r, pl.ds(d, LANES)]
            t = x * x
            s_ = jnp.float32(SIN_C[6])
            co = jnp.float32(COS_C[6])
            for k in range(5, -1, -1):
                s_ = s_ * t + jnp.float32(SIN_C[k])
                co = co * t + jnp.float32(COS_C[k])
            csl[r, pl.ds(d, LANES)] = co
            csl[r, pl.ds(HALF + d, LANES)] = s_ * x
        return carry

    lax.fori_loop(0, ROWS_PER_TILE, tbl_body, 0)
    pltpu.sync_copy(csl, scs.at[pl.ds(row0, ROWS_PER_TILE)])
    plsc.subcore_barrier()

    for g in range(NBUF):
        for cp in cs_copies(g, g):
            cp.start()

    row_base = lax.iota(jnp.int32, LANES) * LANES

    def chunk_body(g, carry):
        b = g % NBUF
        for cp in ent_copies(g, b):
            cp.wait()
        for cp in cs_copies(g, b):
            cp.wait()

        def body(gi, carry2):
            def elem(k, carry3):
                e = gi * LANES + k
                acc = jnp.zeros((LANES,), jnp.float32)
                for c4 in range(HALF // LANES):
                    d = c4 * LANES
                    rh = hb[b, e, pl.ds(d, LANES)]
                    ih = hb[b, e, pl.ds(HALF + d, LANES)]
                    rt = tb[b, e, pl.ds(d, LANES)]
                    it = tb[b, e, pl.ds(HALF + d, LANES)]
                    cs = cb[b, e, pl.ds(d, LANES)]
                    sn = cb[b, e, pl.ds(HALF + d, LANES)]
                    re_s = rh * cs - ih * sn - rt
                    im_s = rh * sn + ih * cs - it
                    acc = acc + re_s * re_s + im_s * im_s
                trb[pl.ds(k * LANES, LANES)] = acc
                return carry3

            lax.fori_loop(0, LANES, elem, 0)
            tot = jnp.zeros((LANES,), jnp.float32)
            for c in range(LANES):
                tot = tot + plsc.load_gather(trb, [row_base + c])
            ob[pl.ds(g * CHUNK + gi * LANES, LANES)] = -tot
            return carry2

        lax.fori_loop(0, GROUPS, body, 0)

        nxt = g + NBUF

        @pl.when(nxt < NCHUNK)
        def _():
            for cp in ent_copies(nxt, b):
                cp.start()
            for cp in cs_copies(nxt, b):
                cp.start()

        return carry

    lax.fori_loop(0, NCHUNK, chunk_body, 0)

    pltpu.sync_copy(ob, out.at[pl.ds(base, BPW)])


@jax.jit
def _rotate_sc(heads, relations, tails, entity_embeddings, phase_relation):
    mesh = plsc.VectorSubcoreMesh(core_axis_name="c", subcore_axis_name="s")
    return pl.kernel(
        _sc_body,
        out_type=jax.ShapeDtypeStruct((BATCH,), jnp.float32),
        mesh=mesh,
        compiler_params=pltpu.CompilerParams(needs_layout_passes=False,
                                             skip_device_barrier=True),
        scratch_types=[
            pltpu.VMEM((BPW,), jnp.int32),
            pltpu.VMEM((BPW,), jnp.int32),
            pltpu.VMEM((BPW,), jnp.int32),
            pltpu.VMEM((NBUF, CHUNK, DIM), jnp.float32),
            pltpu.VMEM((NBUF, CHUNK, DIM), jnp.float32),
            pltpu.VMEM((NBUF, CHUNK, DIM), jnp.float32),
            pltpu.VMEM((ROWS_PER_TILE, HALF), jnp.float32),
            pltpu.VMEM((ROWS_PER_TILE, DIM), jnp.float32),
            pltpu.VMEM((LANES * LANES,), jnp.float32),
            pltpu.VMEM((BPW,), jnp.float32),
            pltpu.VMEM_SHARED((REL_PAD, DIM), jnp.float32),
            pltpu.SemaphoreType.DMA,
            pltpu.SemaphoreType.DMA((NBUF,)),
            pltpu.SemaphoreType.DMA((NBUF,)),
        ],
    )(heads, relations, tails, entity_embeddings, phase_relation)


def kernel(heads, relations, tails, entity_embeddings, phase_relation):
    return _rotate_sc(heads, relations, tails, entity_embeddings,
                      phase_relation)

# --- scband reference (transcript-rebuilt; emitter-appended) ---
"""Pipeline reference for scband-rotat-e-66340064854078 (READ-ONLY COPY).

The authoritative reference and input builder live on the scoring server;
editing this copy changes nothing except your own understanding.
"""

import jax, jax.numpy as jnp
import numpy as np

NUM_ENTITIES = 100000
NUM_RELATIONS = 1000
EMBEDDING_DIM = 128
HALF_DIM = EMBEDDING_DIM // 2
BATCH = 16384


def setup_inputs(seed: int = 0) -> dict:
    key = jax.random.key(seed)
    k1, k2, k3, k4, k5 = jax.random.split(key, 5)
    heads = jax.random.randint(k1, (BATCH,), 0, NUM_ENTITIES, dtype=jnp.int64 if jax.config.jax_enable_x64 else jnp.int32).astype(jnp.int32)
    relations = jax.random.randint(k2, (BATCH,), 0, NUM_RELATIONS).astype(jnp.int32)
    tails = jax.random.randint(k3, (BATCH,), 0, NUM_ENTITIES).astype(jnp.int32)
    bound = 6.0 / (HALF_DIM ** 0.5)
    entity_embeddings = jax.random.uniform(k4, (NUM_ENTITIES, EMBEDDING_DIM), dtype=jnp.float32, minval=-bound, maxval=bound)
    phase_relation = jax.random.uniform(k5, (NUM_RELATIONS, HALF_DIM), dtype=jnp.float32, minval=-3.14159, maxval=3.14159)
    return {
        "heads": heads,
        "relations": relations,
        "tails": tails,
        "entity_embeddings": entity_embeddings,
        "phase_relation": phase_relation,
    }


def reference(heads, relations, tails, entity_embeddings, phase_relation):
    head_embed = jnp.take(entity_embeddings, heads, axis=0)
    tail_embed = jnp.take(entity_embeddings, tails, axis=0)
    phase = jnp.take(phase_relation, relations, axis=0)
    re_head, im_head = jnp.split(head_embed, 2, axis=1)
    re_tail, im_tail = jnp.split(tail_embed, 2, axis=1)
    re_relation = jnp.cos(phase)
    im_relation = jnp.sin(phase)
    re_score = re_head * re_relation - im_head * im_relation - re_tail
    im_score = re_head * im_relation + im_head * re_relation - im_tail
    score = jnp.sum(re_score ** 2 + im_score ** 2, axis=1)
    return -score

if __name__ == "__main__":
    import jax
    _d = setup_inputs()
    print(jax.jit(kernel)(*tuple(_d.values())))

</pallas_src>

<mosaic_0001>
#map = affine_map<(d0, d1) -> (0)>
#map1 = affine_map<(d0, d1) -> (0, 0)>
module attributes {stable_mosaic.version = 14 : i64} {
  func.func @_sc_body(%arg0: i32, %arg1: i32, %arg2: memref<16384xi32, #tpu.memory_space<hbm>>, %arg3: memref<16384xi32, #tpu.memory_space<hbm>>, %arg4: memref<16384xi32, #tpu.memory_space<hbm>>, %arg5: memref<100000x128xf32, #tpu.memory_space<hbm>>, %arg6: memref<1000x64xf32, #tpu.memory_space<hbm>>, %arg7: memref<16384xf32, #tpu.memory_space<hbm>>, %arg8: memref<512xi32, #tpu.memory_space<vmem>>, %arg9: memref<512xi32, #tpu.memory_space<vmem>>, %arg10: memref<512xi32, #tpu.memory_space<vmem>>, %arg11: memref<4x64x128xf32, #tpu.memory_space<vmem>>, %arg12: memref<4x64x128xf32, #tpu.memory_space<vmem>>, %arg13: memref<4x64x128xf32, #tpu.memory_space<vmem>>, %arg14: memref<64x64xf32, #tpu.memory_space<vmem>>, %arg15: memref<64x128xf32, #tpu.memory_space<vmem>>, %arg16: memref<256xf32, #tpu.memory_space<vmem>>, %arg17: memref<512xf32, #tpu.memory_space<vmem>>, %arg18: memref<1024x128xf32, #tpu.memory_space<vmem_shared>>, %arg19: memref<!tpu.dma_semaphore, #tpu.memory_space<semaphore_mem>>, %arg20: memref<4x!tpu.dma_semaphore, #tpu.memory_space<semaphore_mem>>, %arg21: memref<4x!tpu.dma_semaphore, #tpu.memory_space<semaphore_mem>>) attributes {dimension_semantics = [#tpu.dimension_semantics<core_parallel>, #tpu.dimension_semantics<subcore_parallel>], iteration_bounds = array<i64: 2, 16>, scalar_prefetch = 0 : i64, scratch_operands = 14 : i64, tpu.core_type = #tpu.core_type<sc_vector_subcore>, window_params = [{transform_indices = #map}, {transform_indices = #map}, {transform_indices = #map}, {transform_indices = #map1}, {transform_indices = #map1}, {transform_indices = #map}]} {
    %mul3A = arith.constant 2 : i32
    %mul3A_0 = arith.muli %arg1, %mul3A : i32
    %add3A = arith.addi %mul3A_0, %arg0 : i32
    %mul3A_1 = arith.constant 512 : i32
    %mul3A_2 = arith.muli %add3A, %mul3A_1 : i32
    %dma_start3A = tpu.memref_slice %arg2[%mul3A_2] : memref<16384xi32, #tpu.memory_space<hbm>> -> memref<512xi32, #tpu.memory_space<hbm>>
    %dma_start3A_3 = tpu.memref_slice %arg2[%mul3A_2] : memref<16384xi32, #tpu.memory_space<hbm>> -> memref<512xi32, #tpu.memory_space<hbm>>
    tpu.enqueue_dma source(%dma_start3A_3 : memref<512xi32, #tpu.memory_space<hbm>>) target(%arg8 : memref<512xi32, #tpu.memory_space<vmem>>) target_semaphore(%arg19 : memref<!tpu.dma_semaphore, #tpu.memory_space<semaphore_mem>>)
    %dma_start3A_4 = tpu.memref_slice %arg3[%mul3A_2] : memref<16384xi32, #tpu.memory_space<hbm>> -> memref<512xi32, #tpu.memory_space<hbm>>
    %dma_start3A_5 = tpu.memref_slice %arg3[%mul3A_2] : memref<16384xi32, #tpu.memory_space<hbm>> -> memref<512xi32, #tpu.memory_space<hbm>>
    tpu.enqueue_dma source(%dma_start3A_5 : memref<512xi32, #tpu.memory_space<hbm>>) target(%arg9 : memref<512xi32, #tpu.memory_space<vmem>>) target_semaphore(%arg19 : memref<!tpu.dma_semaphore, #tpu.memory_space<semaphore_mem>>)
    %dma_start3A_6 = tpu.memref_slice %arg4[%mul3A_2] : memref<16384xi32, #tpu.memory_space<hbm>> -> memref<512xi32, #tpu.memory_space<hbm>>
    %dma_start3A_7 = tpu.memref_slice %arg4[%mul3A_2] : memref<16384xi32, #tpu.memory_space<hbm>> -> memref<512xi32, #tpu.memory_space<hbm>>
    tpu.enqueue_dma source(%dma_start3A_7 : memref<512xi32, #tpu.memory_space<hbm>>) target(%arg10 : memref<512xi32, #tpu.memory_space<vmem>>) target_semaphore(%arg19 : memref<!tpu.dma_semaphore, #tpu.memory_space<semaphore_mem>>)
    %mul3A_8 = arith.constant 64 : i32
    %mul3A_9 = arith.muli %arg1, %mul3A_8 : i32
    %lt3A = arith.constant 15 : i32
    %lt3A_10 = arith.cmpi slt, %arg1, %lt3A : i32
    %convert_element_type3A = arith.extui %lt3A_10 : i1 to i32
    %cond3A = arith.constant 0 : i32
    %cond3A_11 = arith.cmpi ne, %convert_element_type3A, %cond3A : i32
    scf.if %cond3A_11 {
      "tpu.region"() ({
        %run_scoped3A = tpu.sem_alloc : memref<!tpu.dma_semaphore, #tpu.memory_space<semaphore_mem>>
        %dma_start3A_191 = arith.constant 0 : i32
        %dma_start3A_192 = arith.constant 0 : i32
        %dma_start3A_193 = tpu.memref_slice %arg14[%dma_start3A_191, %dma_start3A_192] : memref<64x64xf32, #tpu.memory_space<vmem>> -> memref<64x64xf32, #tpu.memory_space<vmem>>
        %dma_start3A_194 = arith.constant 0 : i32
        %dma_start3A_195 = tpu.memref_slice %arg6[%mul3A_9, %dma_start3A_194] : memref<1000x64xf32, #tpu.memory_space<hbm>> -> memref<64x64xf32, #tpu.memory_space<hbm>>
        %dma_start3A_196 = arith.constant 0 : i32
        %dma_start3A_197 = arith.constant 0 : i32
        %dma_start3A_198 = tpu.memref_slice %arg14[%dma_start3A_196, %dma_start3A_197] : memref<64x64xf32, #tpu.memory_space<vmem>> -> memref<64x64xf32, #tpu.memory_space<vmem>>
        %dma_start3A_199 = arith.constant 0 : i32
        %dma_start3A_200 = tpu.memref_slice %arg6[%mul3A_9, %dma_start3A_199] : memref<1000x64xf32, #tpu.memory_space<hbm>> -> memref<64x64xf32, #tpu.memory_space<hbm>>
        tpu.enqueue_dma source(%dma_start3A_200 : memref<64x64xf32, #tpu.memory_space<hbm>>) target(%dma_start3A_198 : memref<64x64xf32, #tpu.memory_space<vmem>>) target_semaphore(%run_scoped3A : memref<!tpu.dma_semaphore, #tpu.memory_space<semaphore_mem>>)
        %dma_wait3A_201 = arith.constant 0 : i32
        %dma_wait3A_202 = arith.constant 0 : i32
        %dma_wait3A_203 = tpu.memref_slice %arg14[%dma_wait3A_201, %dma_wait3A_202] : memref<64x64xf32, #tpu.memory_space<vmem>> -> memref<64x64xf32, #tpu.memory_space<vmem>>
        %dma_wait3A_204 = arith.constant 0 : i32
        %dma_wait3A_205 = tpu.memref_slice %arg6[%mul3A_9, %dma_wait3A_204] : memref<1000x64xf32, #tpu.memory_space<hbm>> -> memref<64x64xf32, #tpu.memory_space<hbm>>
        %dma_wait3A_206 = arith.constant 0 : i32
        %dma_wait3A_207 = arith.constant 0 : i32
        %dma_wait3A_208 = tpu.memref_slice %arg14[%dma_wait3A_206, %dma_wait3A_207] : memref<64x64xf32, #tpu.memory_space<vmem>> -> memref<64x64xf32, #tpu.memory_space<vmem>>
        %dma_wait3A_209 = arith.constant 0 : i32
        %dma_wait3A_210 = tpu.memref_slice %arg6[%mul3A_9, %dma_wait3A_209] : memref<1000x64xf32, #tpu.memory_space<hbm>> -> memref<64x64xf32, #tpu.memory_space<hbm>>
        tpu.wait_dma2 semaphore(%run_scoped3A : memref<!tpu.dma_semaphore, #tpu.memory_space<semaphore_mem>>) src(%dma_wait3A_210 : memref<64x64xf32, #tpu.memory_space<hbm>>) dst(%dma_wait3A_208 : memref<64x64xf32, #tpu.memory_space<vmem>>)
        tpu.yield
      }) : () -> ()
    } else {
    }
    %eq3A = arith.constant 15 : i32
    %eq3A_12 = arith.cmpi eq, %arg1, %eq3A : i32
    %convert_element_type3A_13 = arith.extui %eq3A_12 : i1 to i32
    %cond3A_14 = arith.constant 0 : i32
    %cond3A_15 = arith.cmpi ne, %convert_element_type3A_13, %cond3A_14 : i32
    scf.if %cond3A_15 {
      "tpu.region"() ({
        %run_scoped3A = tpu.sem_alloc : memref<!tpu.dma_semaphore, #tpu.memory_space<semaphore_mem>>
        %dma_start3A_191 = arith.constant 0 : i32
        %dma_start3A_192 = arith.constant 0 : i32
        %dma_start3A_193 = tpu.memref_slice %arg14[%dma_start3A_191, %dma_start3A_192] : memref<64x64xf32, #tpu.memory_space<vmem>> -> memref<40x64xf32, #tpu.memory_space<vmem>>
        %dma_start3A_194 = arith.constant 0 : i32
        %dma_start3A_195 = tpu.memref_slice %arg6[%mul3A_9, %dma_start3A_194] : memref<1000x64xf32, #tpu.memory_space<hbm>> -> memref<40x64xf32, #tpu.memory_space<hbm>>
        %dma_start3A_196 = arith.constant 0 : i32
        %dma_start3A_197 = arith.constant 0 : i32
        %dma_start3A_198 = tpu.memref_slice %arg14[%dma_start3A_196, %dma_start3A_197] : memref<64x64xf32, #tpu.memory_space<vmem>> -> memref<40x64xf32, #tpu.memory_space<vmem>>
        %dma_start3A_199 = arith.constant 0 : i32
        %dma_start3A_200 = tpu.memref_slice %arg6[%mul3A_9, %dma_start3A_199] : memref<1000x64xf32, #tpu.memory_space<hbm>> -> memref<40x64xf32, #tpu.memory_space<hbm>>
        tpu.enqueue_dma source(%dma_start3A_200 : memref<40x64xf32, #tpu.memory_space<hbm>>) target(%dma_start3A_198 : memref<40x64xf32, #tpu.memory_space<vmem>>) target_semaphore(%run_scoped3A : memref<!tpu.dma_semaphore, #tpu.memory_space<semaphore_mem>>)
        %dma_wait3A_201 = arith.constant 0 : i32
        %dma_wait3A_202 = arith.constant 0 : i32
        %dma_wait3A_203 = tpu.memref_slice %arg14[%dma_wait3A_201, %dma_wait3A_202] : memref<64x64xf32, #tpu.memory_space<vmem>> -> memref<40x64xf32, #tpu.memory_space<vmem>>
        %dma_wait3A_204 = arith.constant 0 : i32
        %dma_wait3A_205 = tpu.memref_slice %arg6[%mul3A_9, %dma_wait3A_204] : memref<1000x64xf32, #tpu.memory_space<hbm>> -> memref<40x64xf32, #tpu.memory_space<hbm>>
        %dma_wait3A_206 = arith.constant 0 : i32
        %dma_wait3A_207 = arith.constant 0 : i32
        %dma_wait3A_208 = tpu.memref_slice %arg14[%dma_wait3A_206, %dma_wait3A_207] : memref<64x64xf32, #tpu.memory_space<vmem>> -> memref<40x64xf32, #tpu.memory_space<vmem>>
        %dma_wait3A_209 = arith.constant 0 : i32
        %dma_wait3A_210 = tpu.memref_slice %arg6[%mul3A_9, %dma_wait3A_209] : memref<1000x64xf32, #tpu.memory_space<hbm>> -> memref<40x64xf32, #tpu.memory_space<hbm>>
        tpu.wait_dma2 semaphore(%run_scoped3A : memref<!tpu.dma_semaphore, #tpu.memory_space<semaphore_mem>>) src(%dma_wait3A_210 : memref<40x64xf32, #tpu.memory_space<hbm>>) dst(%dma_wait3A_208 : memref<40x64xf32, #tpu.memory_space<vmem>>)
        tpu.yield
      }) : () -> ()
    } else {
    }
    %dma_wait3A = tpu.memref_slice %arg2[%mul3A_2] : memref<16384xi32, #tpu.memory_space<hbm>> -> memref<512xi32, #tpu.memory_space<hbm>>
    %dma_wait3A_16 = tpu.memref_slice %arg2[%mul3A_2] : memref<16384xi32, #tpu.memory_space<hbm>> -> memref<512xi32, #tpu.memory_space<hbm>>
    tpu.wait_dma2 semaphore(%arg19 : memref<!tpu.dma_semaphore, #tpu.memory_space<semaphore_mem>>) src(%dma_wait3A_16 : memref<512xi32, #tpu.memory_space<hbm>>) dst(%arg8 : memref<512xi32, #tpu.memory_space<vmem>>)
    %dma_wait3A_17 = tpu.memref_slice %arg3[%mul3A_2] : memref<16384xi32, #tpu.memory_space<hbm>> -> memref<512xi32, #tpu.memory_space<hbm>>
    %dma_wait3A_18 = tpu.memref_slice %arg3[%mul3A_2] : memref<16384xi32, #tpu.memory_space<hbm>> -> memref<512xi32, #tpu.memory_space<hbm>>
    tpu.wait_dma2 semaphore(%arg19 : memref<!tpu.dma_semaphore, #tpu.memory_space<semaphore_mem>>) src(%dma_wait3A_18 : memref<512xi32, #tpu.memory_space<hbm>>) dst(%arg9 : memref<512xi32, #tpu.memory_space<vmem>>)
    %dma_wait3A_19 = tpu.memref_slice %arg4[%mul3A_2] : memref<16384xi32, #tpu.memory_space<hbm>> -> memref<512xi32, #tpu.memory_space<hbm>>
    %dma_wait3A_20 = tpu.memref_slice %arg4[%mul3A_2] : memref<16384xi32, #tpu.memory_space<hbm>> -> memref<512xi32, #tpu.memory_space<hbm>>
    tpu.wait_dma2 semaphore(%arg19 : memref<!tpu.dma_semaphore, #tpu.memory_space<semaphore_mem>>) src(%dma_wait3A_20 : memref<512xi32, #tpu.memory_space<hbm>>) dst(%arg10 : memref<512xi32, #tpu.memory_space<vmem>>)
    %dma_start3A_21 = arith.constant 0 : i32
    %dma_start3A_22 = arith.constant 0 : i32
    %dma_start3A_23 = arith.constant 0 : i32
    %dma_start3A_24 = arith.constant 0 : i32
    %dma_start3A_25 = tpu.memref_slice %arg11[%dma_start3A_21, %dma_start3A_23, %dma_start3A_24] : memref<4x64x128xf32, #tpu.memory_space<vmem>> -> memref<1x64x128xf32, #tpu.memory_space<vmem>>
    %dma_start3A_26 = tpu.memref_squeeze %dma_start3A_25 : memref<1x64x128xf32, #tpu.memory_space<vmem>> -> memref<64x128xf32, #tpu.memory_space<vmem>>
    %dma_start3A_27 = arith.constant 0 : i32
    %dma_start3A_28 = tpu.memref_slice %arg8[%dma_start3A_27] : memref<512xi32, #tpu.memory_space<vmem>> -> memref<64xi32, #tpu.memory_space<vmem>>
    %dma_start3A_29 = arith.constant 0 : i32
    %dma_start3A_30 = arith.constant 0 : i32
    %dma_start3A_31 = tpu.memref_slice %arg5[%dma_start3A_29, %dma_start3A_30] : memref<100000x128xf32, #tpu.memory_space<hbm>> -> memref<100000x128xf32, #tpu.memory_space<hbm>>
    %dma_start3A_32 = tpu.memref_slice %arg20[%dma_start3A_22] : memref<4x!tpu.dma_semaphore, #tpu.memory_space<semaphore_mem>> -> memref<1x!tpu.dma_semaphore, #tpu.memory_space<semaphore_mem>>
    %dma_start3A_33 = tpu.memref_squeeze %dma_start3A_32 : memref<1x!tpu.dma_semaphore, #tpu.memory_space<semaphore_mem>> -> memref<!tpu.dma_semaphore, #tpu.memory_space<semaphore_mem>>
    tpu.enqueue_indirect_dma source(%dma_start3A_31 : memref<100000x128xf32, #tpu.memory_space<hbm>>) target(%dma_start3A_26 : memref<64x128xf32, #tpu.memory_space<vmem>>) offsets(%dma_start3A_28 : memref<64xi32, #tpu.memory_space<vmem>>) semaphore(%dma_start3A_33 : memref<!tpu.dma_semaphore, #tpu.memory_space<semaphore_mem>>)
    %dma_start3A_34 = arith.constant 0 : i32
    %dma_start3A_35 = arith.constant 0 : i32
    %dma_start3A_36 = arith.constant 0 : i32
    %dma_start3A_37 = arith.constant 0 : i32
    %dma_start3A_38 = tpu.memref_slice %arg12[%dma_start3A_34, %dma_start3A_36, %dma_start3A_37] : memref<4x64x128xf32, #tpu.memory_space<vmem>> -> memref<1x64x128xf32, #tpu.memory_space<vmem>>
    %dma_start3A_39 = tpu.memref_squeeze %dma_start3A_38 : memref<1x64x128xf32, #tpu.memory_space<vmem>> -> memref<64x128xf32, #tpu.memory_space<vmem>>
    %dma_start3A_40 = arith.constant 0 : i32
    %dma_start3A_41 = tpu.memref_slice %arg10[%dma_start3A_40] : memref<512xi32, #tpu.memory_space<vmem>> -> memref<64xi32, #tpu.memory_space<vmem>>
    %dma_start3A_42 = arith.constant 0 : i32
    %dma_start3A_43 = arith.constant 0 : i32
    %dma_start3A_44 = tpu.memref_slice %arg5[%dma_start3A_42, %dma_start3A_43] : memref<100000x128xf32, #tpu.memory_space<hbm>> -> memref<100000x128xf32, #tpu.memory_space<hbm>>
    %dma_start3A_45 = tpu.memref_slice %arg20[%dma_start3A_35] : memref<4x!tpu.dma_semaphore, #tpu.memory_space<semaphore_mem>> -> memref<1x!tpu.dma_semaphore, #tpu.memory_space<semaphore_mem>>
    %dma_start3A_46 = tpu.memref_squeeze %dma_start3A_45 : memref<1x!tpu.dma_semaphore, #tpu.memory_space<semaphore_mem>> -> memref<!tpu.dma_semaphore, #tpu.memory_space<semaphore_mem>>
    tpu.enqueue_indirect_dma source(%dma_start3A_44 : memref<100000x128xf32, #tpu.memory_space<hbm>>) target(%dma_start3A_39 : memref<64x128xf32, #tpu.memory_space<vmem>>) offsets(%dma_start3A_41 : memref<64xi32, #tpu.memory_space<vmem>>) semaphore(%dma_start3A_46 : memref<!tpu.dma_semaphore, #tpu.memory_space<semaphore_mem>>)
    %dma_start3A_47 = arith.constant 1 : i32
    %dma_start3A_48 = arith.constant 1 : i32
    %dma_start3A_49 = arith.constant 0 : i32
    %dma_start3A_50 = arith.constant 0 : i32
    %dma_start3A_51 = tpu.memref_slice %arg11[%dma_start3A_47, %dma_start3A_49, %dma_start3A_50] : memref<4x64x128xf32, #tpu.memory_space<vmem>> -> memref<1x64x128xf32, #tpu.memory_space<vmem>>
    %dma_start3A_52 = tpu.memref_squeeze %dma_start3A_51 : memref<1x64x128xf32, #tpu.memory_space<vmem>> -> memref<64x128xf32, #tpu.memory_space<vmem>>
    %dma_start3A_53 = arith.constant 64 : i32
    %dma_start3A_54 = tpu.memref_slice %arg8[%dma_start3A_53] : memref<512xi32, #tpu.memory_space<vmem>> -> memref<64xi32, #tpu.memory_space<vmem>>
    %dma_start3A_55 = arith.constant 0 : i32
    %dma_start3A_56 = arith.constant 0 : i32
    %dma_start3A_57 = tpu.memref_slice %arg5[%dma_start3A_55, %dma_start3A_56] : memref<100000x128xf32, #tpu.memory_space<hbm>> -> memref<100000x128xf32, #tpu.memory_space<hbm>>
    %dma_start3A_58 = tpu.memref_slice %arg20[%dma_start3A_48] : memref<4x!tpu.dma_semaphore, #tpu.memory_space<semaphore_mem>> -> memref<1x!tpu.dma_semaphore, #tpu.memory_space<semaphore_mem>>
    %dma_start3A_59 = tpu.memref_squeeze %dma_start3A_58 : memref<1x!tpu.dma_semaphore, #tpu.memory_space<semaphore_mem>> -> memref<!tpu.dma_semaphore, #tpu.memory_space<semaphore_mem>>
    tpu.enqueue_indirect_dma source(%dma_start3A_57 : memref<100000x128xf32, #tpu.memory_space<hbm>>) target(%dma_start3A_52 : memref<64x128xf32, #tpu.memory_space<vmem>>) offsets(%dma_start3A_54 : memref<64xi32, #tpu.memory_space<vmem>>) semaphore(%dma_start3A_59 : memref<!tpu.dma_semaphore, #tpu.memory_space<semaphore_mem>>)
    %dma_start3A_60 = arith.constant 1 : i32
    %dma_start3A_61 = arith.constant 1 : i32
    %dma_start3A_62 = arith.constant 0 : i32
    %dma_start3A_63 = arith.constant 0 : i32
    %dma_start3A_64 = tpu.memref_slice %arg12[%dma_start3A_60, %dma_start3A_62, %dma_start3A_63] : memref<4x64x128xf32, #tpu.memory_space<vmem>> -> memref<1x64x128xf32, #tpu.memory_space<vmem>>
    %dma_start3A_65 = tpu.memref_squeeze %dma_start3A_64 : memref<1x64x128xf32, #tpu.memory_space<vmem>> -> memref<64x128xf32, #tpu.memory_space<vmem>>
    %dma_start3A_66 = arith.constant 64 : i32
    %dma_start3A_67 = tpu.memref_slice %arg10[%dma_start3A_66] : memref<512xi32, #tpu.memory_space<vmem>> -> memref<64xi32, #tpu.memory_space<vmem>>
    %dma_start3A_68 = arith.constant 0 : i32
    %dma_start3A_69 = arith.constant 0 : i32
    %dma_start3A_70 = tpu.memref_slice %arg5[%dma_start3A_68, %dma_start3A_69] : memref<100000x128xf32, #tpu.memory_space<hbm>> -> memref<100000x128xf32, #tpu.memory_space<hbm>>
    %dma_start3A_71 = tpu.memref_slice %arg20[%dma_start3A_61] : memref<4x!tpu.dma_semaphore, #tpu.memory_space<semaphore_mem>> -> memref<1x!tpu.dma_semaphore, #tpu.memory_space<semaphore_mem>>
    %dma_start3A_72 = tpu.memref_squeeze %dma_start3A_71 : memref<1x!tpu.dma_semaphore, #tpu.memory_space<semaphore_mem>> -> memref<!tpu.dma_semaphore, #tpu.memory_space<semaphore_mem>>
    tpu.enqueue_indirect_dma source(%dma_start3A_70 : memref<100000x128xf32, #tpu.memory_space<hbm>>) target(%dma_start3A_65 : memref<64x128xf32, #tpu.memory_space<vmem>>) offsets(%dma_start3A_67 : memref<64xi32, #tpu.memory_space<vmem>>) semaphore(%dma_start3A_72 : memref<!tpu.dma_semaphore, #tpu.memory_space<semaphore_mem>>)
    %dma_start3A_73 = arith.constant 2 : i32
    %dma_start3A_74 = arith.constant 2 : i32
    %dma_start3A_75 = arith.constant 0 : i32
    %dma_start3A_76 = arith.constant 0 : i32
    %dma_start3A_77 = tpu.memref_slice %arg11[%dma_start3A_73, %dma_start3A_75, %dma_start3A_76] : memref<4x64x128xf32, #tpu.memory_space<vmem>> -> memref<1x64x128xf32, #tpu.memory_space<vmem>>
    %dma_start3A_78 = tpu.memref_squeeze %dma_start3A_77 : memref<1x64x128xf32, #tpu.memory_space<vmem>> -> memref<64x128xf32, #tpu.memory_space<vmem>>
    %dma_start3A_79 = arith.constant 128 : i32
    %dma_start3A_80 = tpu.memref_slice %arg8[%dma_start3A_79] : memref<512xi32, #tpu.memory_space<vmem>> -> memref<64xi32, #tpu.memory_space<vmem>>
    %dma_start3A_81 = arith.constant 0 : i32
    %dma_start3A_82 = arith.constant 0 : i32
    %dma_start3A_83 = tpu.memref_slice %arg5[%dma_start3A_81, %dma_start3A_82] : memref<100000x128xf32, #tpu.memory_space<hbm>> -> memref<100000x128xf32, #tpu.memory_space<hbm>>
    %dma_start3A_84 = tpu.memref_slice %arg20[%dma_start3A_74] : memref<4x!tpu.dma_semaphore, #tpu.memory_space<semaphore_mem>> -> memref<1x!tpu.dma_semaphore, #tpu.memory_space<semaphore_mem>>
    %dma_start3A_85 = tpu.memref_squeeze %dma_start3A_84 : memref<1x!tpu.dma_semaphore, #tpu.memory_space<semaphore_mem>> -> memref<!tpu.dma_semaphore, #tpu.memory_space<semaphore_mem>>
    tpu.enqueue_indirect_dma source(%dma_start3A_83 : memref<100000x128xf32, #tpu.memory_space<hbm>>) target(%dma_start3A_78 : memref<64x128xf32, #tpu.memory_space<vmem>>) offsets(%dma_start3A_80 : memref<64xi32, #tpu.memory_space<vmem>>) semaphore(%dma_start3A_85 : memref<!tpu.dma_semaphore, #tpu.memory_space<semaphore_mem>>)
    %dma_start3A_86 = arith.constant 2 : i32
    %dma_start3A_87 = arith.constant 2 : i32
    %dma_start3A_88 = arith.constant 0 : i32
    %dma_start3A_89 = arith.constant 0 : i32
    %dma_start3A_90 = tpu.memref_slice %arg12[%dma_start3A_86, %dma_start3A_88, %dma_start3A_89] : memref<4x64x128xf32, #tpu.memory_space<vmem>> -> memref<1x64x128xf32, #tpu.memory_space<vmem>>
    %dma_start3A_91 = tpu.memref_squeeze %dma_start3A_90 : memref<1x64x128xf32, #tpu.memory_space<vmem>> -> memref<64x128xf32, #tpu.memory_space<vmem>>
    %dma_start3A_92 = arith.constant 128 : i32
    %dma_start3A_93 = tpu.memref_slice %arg10[%dma_start3A_92] : memref<512xi32, #tpu.memory_space<vmem>> -> memref<64xi32, #tpu.memory_space<vmem>>
    %dma_start3A_94 = arith.constant 0 : i32
    %dma_start3A_95 = arith.constant 0 : i32
    %dma_start3A_96 = tpu.memref_slice %arg5[%dma_start3A_94, %dma_start3A_95] : memref<100000x128xf32, #tpu.memory_space<hbm>> -> memref<100000x128xf32, #tpu.memory_space<hbm>>
    %dma_start3A_97 = tpu.memref_slice %arg20[%dma_start3A_87] : memref<4x!tpu.dma_semaphore, #tpu.memory_space<semaphore_mem>> -> memref<1x!tpu.dma_semaphore, #tpu.memory_space<semaphore_mem>>
    %dma_start3A_98 = tpu.memref_squeeze %dma_start3A_97 : memref<1x!tpu.dma_semaphore, #tpu.memory_space<semaphore_mem>> -> memref<!tpu.dma_semaphore, #tpu.memory_space<semaphore_mem>>
    tpu.enqueue_indirect_dma source(%dma_start3A_96 : memref<100000x128xf32, #tpu.memory_space<hbm>>) target(%dma_start3A_91 : memref<64x128xf32, #tpu.memory_space<vmem>>) offsets(%dma_start3A_93 : memref<64xi32, #tpu.memory_space<vmem>>) semaphore(%dma_start3A_98 : memref<!tpu.dma_semaphore, #tpu.memory_space<semaphore_mem>>)
    %dma_start3A_99 = arith.constant 3 : i32
    %dma_start3A_100 = arith.constant 3 : i32
    %dma_start3A_101 = arith.constant 0 : i32
    %dma_start3A_102 = arith.constant 0 : i32
    %dma_start3A_103 = tpu.memref_slice %arg11[%dma_start3A_99, %dma_start3A_101, %dma_start3A_102] : memref<4x64x128xf32, #tpu.memory_space<vmem>> -> memref<1x64x128xf32, #tpu.memory_space<vmem>>
    %dma_start3A_104 = tpu.memref_squeeze %dma_start3A_103 : memref<1x64x128xf32, #tpu.memory_space<vmem>> -> memref<64x128xf32, #tpu.memory_space<vmem>>
    %dma_start3A_105 = arith.constant 192 : i32
    %dma_start3A_106 = tpu.memref_slice %arg8[%dma_start3A_105] : memref<512xi32, #tpu.memory_space<vmem>> -> memref<64xi32, #tpu.memory_space<vmem>>
    %dma_start3A_107 = arith.constant 0 : i32
    %dma_start3A_108 = arith.constant 0 : i32
    %dma_start3A_109 = tpu.memref_slice %arg5[%dma_start3A_107, %dma_start3A_108] : memref<100000x128xf32, #tpu.memory_space<hbm>> -> memref<100000x128xf32, #tpu.memory_space<hbm>>
    %dma_start3A_110 = tpu.memref_slice %arg20[%dma_start3A_100] : memref<4x!tpu.dma_semaphore, #tpu.memory_space<semaphore_mem>> -> memref<1x!tpu.dma_semaphore, #tpu.memory_space<semaphore_mem>>
    %dma_start3A_111 = tpu.memref_squeeze %dma_start3A_110 : memref<1x!tpu.dma_semaphore, #tpu.memory_space<semaphore_mem>> -> memref<!tpu.dma_semaphore, #tpu.memory_space<semaphore_mem>>
    tpu.enqueue_indirect_dma source(%dma_start3A_109 : memref<100000x128xf32, #tpu.memory_space<hbm>>) target(%dma_start3A_104 : memref<64x128xf32, #tpu.memory_space<vmem>>) offsets(%dma_start3A_106 : memref<64xi32, #tpu.memory_space<vmem>>) semaphore(%dma_start3A_111 : memref<!tpu.dma_semaphore, #tpu.memory_space<semaphore_mem>>)
    %dma_start3A_112 = arith.constant 3 : i32
    %dma_start3A_113 = arith.constant 3 : i32
    %dma_start3A_114 = arith.constant 0 : i32
    %dma_start3A_115 = arith.constant 0 : i32
    %dma_start3A_116 = tpu.memref_slice %arg12[%dma_start3A_112, %dma_start3A_114, %dma_start3A_115] : memref<4x64x128xf32, #tpu.memory_space<vmem>> -> memref<1x64x128xf32, #tpu.memory_space<vmem>>
    %dma_start3A_117 = tpu.memref_squeeze %dma_start3A_116 : memref<1x64x128xf32, #tpu.memory_space<vmem>> -> memref<64x128xf32, #tpu.memory_space<vmem>>
    %dma_start3A_118 = arith.constant 192 : i32
    %dma_start3A_119 = tpu.memref_slice %arg10[%dma_start3A_118] : memref<512xi32, #tpu.memory_space<vmem>> -> memref<64xi32, #tpu.memory_space<vmem>>
    %dma_start3A_120 = arith.constant 0 : i32
    %dma_start3A_121 = arith.constant 0 : i32
    %dma_start3A_122 = tpu.memref_slice %arg5[%dma_start3A_120, %dma_start3A_121] : memref<100000x128xf32, #tpu.memory_space<hbm>> -> memref<100000x128xf32, #tpu.memory_space<hbm>>
    %dma_start3A_123 = tpu.memref_slice %arg20[%dma_start3A_113] : memref<4x!tpu.dma_semaphore, #tpu.memory_space<semaphore_mem>> -> memref<1x!tpu.dma_semaphore, #tpu.memory_space<semaphore_mem>>
    %dma_start3A_124 = tpu.memref_squeeze %dma_start3A_123 : memref<1x!tpu.dma_semaphore, #tpu.memory_space<semaphore_mem>> -> memref<!tpu.dma_semaphore, #tpu.memory_space<semaphore_mem>>
    tpu.enqueue_indirect_dma source(%dma_start3A_122 : memref<100000x128xf32, #tpu.memory_space<hbm>>) target(%dma_start3A_117 : memref<64x128xf32, #tpu.memory_space<vmem>>) offsets(%dma_start3A_119 : memref<64xi32, #tpu.memory_space<vmem>>) semaphore(%dma_start3A_124 : memref<!tpu.dma_semaphore, #tpu.memory_space<semaphore_mem>>)
    %scan3A = arith.constant 0 : i32
    %scan3A_125 = arith.constant 0 : i32
    %scan3A_126 = arith.constant 64 : i32
    %scan3A_127 = arith.addi %scan3A_125, %scan3A_126 : i32
    %scan3A_128 = arith.constant 1 : i32
    scf.for %scan3A_191 = %scan3A_125 to %scan3A_127 step %scan3A_128  : i32 {
      %get3A = arith.index_cast %scan3A_191 : i32 to index
      %get3A_192 = arith.constant 0 : index
      %get3A_193 = tpu.vector_load %arg14[%get3A, %get3A_192] {strides = array<i32>} : memref<64x64xf32, #tpu.memory_space<vmem>>, vector<16xf32>,
      %mul3A_194 = arith.mulf %get3A_193, %get3A_193 : vector<16xf32>
      %mul3A_195 = arith.constant 1.36974654E-10 : f32
      %mul3A_196 = vector.broadcast %mul3A_195 : f32 to vector<16xf32>
      %mul3A_197 = arith.mulf %mul3A_196, %mul3A_194 : vector<16xf32>
      %add3A_198 = arith.constant -2.47521683E-8 : f32
      %add3A_199 = vector.broadcast %add3A_198 : f32 to vector<16xf32>
      %add3A_200 = arith.addf %mul3A_197, %add3A_199 : vector<16xf32>
      %mul3A_201 = arith.constant 1.73691317E-9 : f32
      %mul3A_202 = vector.broadcast %mul3A_201 : f32 to vector<16xf32>
      %mul3A_203 = arith.mulf %mul3A_202, %mul3A_194 : vector<16xf32>
      %add3A_204 = arith.constant -2.71133729E-7 : f32
      %add3A_205 = vector.broadcast %add3A_204 : f32 to vector<16xf32>
      %add3A_206 = arith.addf %mul3A_203, %add3A_205 : vector<16xf32>
      %mul3A_207 = arith.mulf %add3A_200, %mul3A_194 : vector<16xf32>
      %add3A_208 = arith.constant 2.75382581E-6 : f32
      %add3A_209 = vector.broadcast %add3A_208 : f32 to vector<16xf32>
      %add3A_210 = arith.addf %mul3A_207, %add3A_209 : vector<16xf32>
      %mul3A_211 = arith.mulf %add3A_206, %mul3A_194 : vector<16xf32>
      %add3A_212 = arith.constant 2.47734242E-5 : f32
      %add3A_213 = vector.broadcast %add3A_212 : f32 to vector<16xf32>
      %add3A_214 = arith.addf %mul3A_211, %add3A_213 : vector<16xf32>
      %mul3A_215 = arith.mulf %add3A_210, %mul3A_194 : vector<16xf32>
      %add3A_216 = arith.constant -1.98406473E-4 : f32
      %add3A_217 = vector.broadcast %add3A_216 : f32 to vector<16xf32>
      %add3A_218 = arith.addf %mul3A_215, %add3A_217 : vector<16xf32>
      %mul3A_219 = arith.mulf %add3A_214, %mul3A_194 : vector<16xf32>
      %add3A_220 = arith.constant -0.00138879707 : f32
      %add3A_221 = vector.broadcast %add3A_220 : f32 to vector<16xf32>
      %add3A_222 = arith.addf %mul3A_219, %add3A_221 : vector<16xf32>
      %mul3A_223 = arith.mulf %add3A_218, %mul3A_194 : vector<16xf32>
      %add3A_224 = arith.constant 0.00833332352 : f32
      %add3A_225 = vector.broadcast %add3A_224 : f32 to vector<16xf32>
      %add3A_226 = arith.addf %mul3A_223, %add3A_225 : vector<16xf32>
      %mul3A_227 = arith.mulf %add3A_222, %mul3A_194 : vector<16xf32>
      %add3A_228 = arith.constant 0.0416665226 : f32
      %add3A_229 = vector.broadcast %add3A_228 : f32 to vector<16xf32>
      %add3A_230 = arith.addf %mul3A_227, %add3A_229 : vector<16xf32>
      %mul3A_231 = arith.mulf %add3A_226, %mul3A_194 : vector<16xf32>
      %add3A_232 = arith.constant -0.166666657 : f32
      %add3A_233 = vector.broadcast %add3A_232 : f32 to vector<16xf32>
      %add3A_234 = arith.addf %mul3A_231, %add3A_233 : vector<16xf32>
      %mul3A_235 = arith.mulf %add3A_230, %mul3A_194 : vector<16xf32>
      %add3A_236 = arith.constant -0.499999911 : f32
      %add3A_237 = vector.broadcast %add3A_236 : f32 to vector<16xf32>
      %add3A_238 = arith.addf %mul3A_235, %add3A_237 : vector<16xf32>
      %mul3A_239 = arith.mulf %add3A_234, %mul3A_194 : vector<16xf32>
      %add3A_240 = arith.constant 1.000000e+00 : f32
      %add3A_241 = vector.broadcast %add3A_240 : f32 to vector<16xf32>
      %add3A_242 = arith.addf %mul3A_239, %add3A_241 : vector<16xf32>
      %mul3A_243 = arith.mulf %add3A_238, %mul3A_194 : vector<16xf32>
      %add3A_244 = arith.constant 1.000000e+00 : f32
      %add3A_245 = vector.broadcast %add3A_244 : f32 to vector<16xf32>
      %add3A_246 = arith.addf %mul3A_243, %add3A_245 : vector<16xf32>
      %swap3A = arith.index_cast %scan3A_191 : i32 to index
      %swap3A_247 = arith.constant 0 : index
      %swap3A_248 = tpu.vector_load %arg15[%swap3A, %swap3A_247] {strides = array<i32>} : memref<64x128xf32, #tpu.memory_space<vmem>>, vector<16xf32>,
      tpu.vector_store %arg15[%swap3A, %swap3A_247], %add3A_246 {strides = array<i32>} : memref<64x128xf32, #tpu.memory_space<vmem>>, vector<16xf32>,
      %mul3A_249 = arith.mulf %add3A_242, %get3A_193 : vector<16xf32>
      %swap3A_250 = arith.index_cast %scan3A_191 : i32 to index
      %swap3A_251 = arith.constant 64 : index
      %swap3A_252 = tpu.vector_load %arg15[%swap3A_250, %swap3A_251] {strides = array<i32>} : memref<64x128xf32, #tpu.memory_space<vmem>>, vector<16xf32>,
      tpu.vector_store %arg15[%swap3A_250, %swap3A_251], %mul3A_249 {strides = array<i32>} : memref<64x128xf32, #tpu.memory_space<vmem>>, vector<16xf32>,
      %get3A_253 = arith.index_cast %scan3A_191 : i32 to index
      %get3A_254 = arith.constant 16 : index
      %get3A_255 = tpu.vector_load %arg14[%get3A_253, %get3A_254] {strides = array<i32>} : memref<64x64xf32, #tpu.memory_space<vmem>>, vector<16xf32>,
      %mul3A_256 = arith.mulf %get3A_255, %get3A_255 : vector<16xf32>
      %mul3A_257 = arith.constant 1.36974654E-10 : f32
      %mul3A_258 = vector.broadcast %mul3A_257 : f32 to vector<16xf32>
      %mul3A_259 = arith.mulf %mul3A_258, %mul3A_256 : vector<16xf32>
      %add3A_260 = arith.constant -2.47521683E-8 : f32
      %add3A_261 = vector.broadcast %add3A_260 : f32 to vector<16xf32>
      %add3A_262 = arith.addf %mul3A_259, %add3A_261 : vector<16xf32>
      %mul3A_263 = arith.constant 1.73691317E-9 : f32
      %mul3A_264 = vector.broadcast %mul3A_263 : f32 to vector<16xf32>
      %mul3A_265 = arith.mulf %mul3A_264, %mul3A_256 : vector<16xf32>
      %add3A_266 = arith.constant -2.71133729E-7 : f32
      %add3A_267 = vector.broadcast %add3A_266 : f32 to vector<16xf32>
      %add3A_268 = arith.addf %mul3A_265, %add3A_267 : vector<16xf32>
      %mul3A_269 = arith.mulf %add3A_262, %mul3A_256 : vector<16xf32>
      %add3A_270 = arith.constant 2.75382581E-6 : f32
      %add3A_271 = vector.broadcast %add3A_270 : f32 to vector<16xf32>
      %add3A_272 = arith.addf %mul3A_269, %add3A_271 : vector<16xf32>
      %mul3A_273 = arith.mulf %add3A_268, %mul3A_256 : vector<16xf32>
      %add3A_274 = arith.constant 2.47734242E-5 : f32
      %add3A_275 = vector.broadcast %add3A_274 : f32 to vector<16xf32>
      %add3A_276 = arith.addf %mul3A_273, %add3A_275 : vector<16xf32>
      %mul3A_277 = arith.mulf %add3A_272, %mul3A_256 : vector<16xf32>
      %add3A_278 = arith.constant -1.98406473E-4 : f32
      %add3A_279 = vector.broadcast %add3A_278 : f32 to vector<16xf32>
      %add3A_280 = arith.addf %mul3A_277, %add3A_279 : vector<16xf32>
      %mul3A_281 = arith.mulf %add3A_276, %mul3A_256 : vector<16xf32>
      %add3A_282 = arith.constant -0.00138879707 : f32
      %add3A_283 = vector.broadcast %add3A_282 : f32 to vector<16xf32>
      %add3A_284 = arith.addf %mul3A_281, %add3A_283 : vector<16xf32>
      %mul3A_285 = arith.mulf %add3A_280, %mul3A_256 : vector<16xf32>
      %add3A_286 = arith.constant 0.00833332352 : f32
      %add3A_287 = vector.broadcast %add3A_286 : f32 to vector<16xf32>
      %add3A_288 = arith.addf %mul3A_285, %add3A_287 : vector<16xf32>
      %mul3A_289 = arith.mulf %add3A_284, %mul3A_256 : vector<16xf32>
      %add3A_290 = arith.constant 0.0416665226 : f32
      %add3A_291 = vector.broadcast %add3A_290 : f32 to vector<16xf32>
      %add3A_292 = arith.addf %mul3A_289, %add3A_291 : vector<16xf32>
      %mul3A_293 = arith.mulf %add3A_288, %mul3A_256 : vector<16xf32>
      %add3A_294 = arith.constant -0.166666657 : f32
      %add3A_295 = vector.broadcast %add3A_294 : f32 to vector<16xf32>
      %add3A_296 = arith.addf %mul3A_293, %add3A_295 : vector<16xf32>
      %mul3A_297 = arith.mulf %add3A_292, %mul3A_256 : vector<16xf32>
      %add3A_298 = arith.constant -0.499999911 : f32
      %add3A_299 = vector.broadcast %add3A_298 : f32 to vector<16xf32>
      %add3A_300 = arith.addf %mul3A_297, %add3A_299 : vector<16xf32>
      %mul3A_301 = arith.mulf %add3A_296, %mul3A_256 : vector<16xf32>
      %add3A_302 = arith.constant 1.000000e+00 : f32
      %add3A_303 = vector.broadcast %add3A_302 : f32 to vector<16xf32>
      %add3A_304 = arith.addf %mul3A_301, %add3A_303 : vector<16xf32>
      %mul3A_305 = arith.mulf %add3A_300, %mul3A_256 : vector<16xf32>
      %add3A_306 = arith.constant 1.000000e+00 : f32
      %add3A_307 = vector.broadcast %add3A_306 : f32 to vector<16xf32>
      %add3A_308 = arith.addf %mul3A_305, %add3A_307 : vector<16xf32>
      %swap3A_309 = arith.index_cast %scan3A_191 : i32 to index
      %swap3A_310 = arith.constant 16 : index
      %swap3A_311 = tpu.vector_load %arg15[%swap3A_309, %swap3A_310] {strides = array<i32>} : memref<64x128xf32, #tpu.memory_space<vmem>>, vector<16xf32>,
      tpu.vector_store %arg15[%swap3A_309, %swap3A_310], %add3A_308 {strides = array<i32>} : memref<64x128xf32, #tpu.memory_space<vmem>>, vector<16xf32>,
      %mul3A_312 = arith.mulf %add3A_304, %get3A_255 : vector<16xf32>
      %swap3A_313 = arith.index_cast %scan3A_191 : i32 to index
      %swap3A_314 = arith.constant 80 : index
      %swap3A_315 = tpu.vector_load %arg15[%swap3A_313, %swap3A_314] {strides = array<i32>} : memref<64x128xf32, #tpu.memory_space<vmem>>, vector<16xf32>,
      tpu.vector_store %arg15[%swap3A_313, %swap3A_314], %mul3A_312 {strides = array<i32>} : memref<64x128xf32, #tpu.memory_space<vmem>>, vector<16xf32>,
      %get3A_316 = arith.index_cast %scan3A_191 : i32 to index
      %get3A_317 = arith.constant 32 : index
      %get3A_318 = tpu.vector_load %arg14[%get3A_316, %get3A_317] {strides = array<i32>} : memref<64x64xf32, #tpu.memory_space<vmem>>, vector<16xf32>,
      %mul3A_319 = arith.mulf %get3A_318, %get3A_318 : vector<16xf32>
      %mul3A_320 = arith.constant 1.36974654E-10 : f32
      %mul3A_321 = vector.broadcast %mul3A_320 : f32 to vector<16xf32>
      %mul3A_322 = arith.mulf %mul3A_321, %mul3A_319 : vector<16xf32>
      %add3A_323 = arith.constant -2.47521683E-8 : f32
      %add3A_324 = vector.broadcast %add3A_323 : f32 to vector<16xf32>
      %add3A_325 = arith.addf %mul3A_322, %add3A_324 : vector<16xf32>
      %mul3A_326 = arith.constant 1.73691317E-9 : f32
      %mul3A_327 = vector.broadcast %mul3A_326 : f32 to vector<16xf32>
      %mul3A_328 = arith.mulf %mul3A_327, %mul3A_319 : vector<16xf32>
      %add3A_329 = arith.constant -2.71133729E-7 : f32
      %add3A_330 = vector.broadcast %add3A_329 : f32 to vector<16xf32>
      %add3A_331 = arith.addf %mul3A_328, %add3A_330 : vector<16xf32>
      %mul3A_332 = arith.mulf %add3A_325, %mul3A_319 : vector<16xf32>
      %add3A_333 = arith.constant 2.75382581E-6 : f32
      %add3A_334 = vector.broadcast %add3A_333 : f32 to vector<16xf32>
      %add3A_335 = arith.addf %mul3A_332, %add3A_334 : vector<16xf32>
      %mul3A_336 = arith.mulf %add3A_331, %mul3A_319 : vector<16xf32>
      %add3A_337 = arith.constant 2.47734242E-5 : f32
      %add3A_338 = vector.broadcast %add3A_337 : f32 to vector<16xf32>
      %add3A_339 = arith.addf %mul3A_336, %add3A_338 : vector<16xf32>
      %mul3A_340 = arith.mulf %add3A_335, %mul3A_319 : vector<16xf32>
      %add3A_341 = arith.constant -1.98406473E-4 : f32
      %add3A_342 = vector.broadcast %add3A_341 : f32 to vector<16xf32>
      %add3A_343 = arith.addf %mul3A_340, %add3A_342 : vector<16xf32>
      %mul3A_344 = arith.mulf %add3A_339, %mul3A_319 : vector<16xf32>
      %add3A_345 = arith.constant -0.00138879707 : f32
      %add3A_346 = vector.broadcast %add3A_345 : f32 to vector<16xf32>
      %add3A_347 = arith.addf %mul3A_344, %add3A_346 : vector<16xf32>
      %mul3A_348 = arith.mulf %add3A_343, %mul3A_319 : vector<16xf32>
      %add3A_349 = arith.constant 0.00833332352 : f32
      %add3A_350 = vector.broadcast %add3A_349 : f32 to vector<16xf32>
      %add3A_351 = arith.addf %mul3A_348, %add3A_350 : vector<16xf32>
      %mul3A_352 = arith.mulf %add3A_347, %mul3A_319 : vector<16xf32>
      %add3A_353 = arith.constant 0.0416665226 : f32
      %add3A_354 = vector.broadcast %add3A_353 : f32 to vector<16xf32>
      %add3A_355 = arith.addf %mul3A_352, %add3A_354 : vector<16xf32>
      %mul3A_356 = arith.mulf %add3A_351, %mul3A_319 : vector<16xf32>
      %add3A_357 = arith.constant -0.166666657 : f32
      %add3A_358 = vector.broadcast %add3A_357 : f32 to vector<16xf32>
      %add3A_359 = arith.addf %mul3A_356, %add3A_358 : vector<16xf32>
      %mul3A_360 = arith.mulf %add3A_355, %mul3A_319 : vector<16xf32>
      %add3A_361 = arith.constant -0.499999911 : f32
      %add3A_362 = vector.broadcast %add3A_361 : f32 to vector<16xf32>
      %add3A_363 = arith.addf %mul3A_360, %add3A_362 : vector<16xf32>
      %mul3A_364 = arith.mulf %add3A_359, %mul3A_319 : vector<16xf32>
      %add3A_365 = arith.constant 1.000000e+00 : f32
      %add3A_366 = vector.broadcast %add3A_365 : f32 to vector<16xf32>
      %add3A_367 = arith.addf %mul3A_364, %add3A_366 : vector<16xf32>
      %mul3A_368 = arith.mulf %add3A_363, %mul3A_319 : vector<16xf32>
      %add3A_369 = arith.constant 1.000000e+00 : f32
      %add3A_370 = vector.broadcast %add3A_369 : f32 to vector<16xf32>
      %add3A_371 = arith.addf %mul3A_368, %add3A_370 : vector<16xf32>
      %swap3A_372 = arith.index_cast %scan3A_191 : i32 to index
      %swap3A_373 = arith.constant 32 : index
      %swap3A_374 = tpu.vector_load %arg15[%swap3A_372, %swap3A_373] {strides = array<i32>} : memref<64x128xf32, #tpu.memory_space<vmem>>, vector<16xf32>,
      tpu.vector_store %arg15[%swap3A_372, %swap3A_373], %add3A_371 {strides = array<i32>} : memref<64x128xf32, #tpu.memory_space<vmem>>, vector<16xf32>,
      %mul3A_375 = arith.mulf %add3A_367, %get3A_318 : vector<16xf32>
      %swap3A_376 = arith.index_cast %scan3A_191 : i32 to index
      %swap3A_377 = arith.constant 96 : index
      %swap3A_378 = tpu.vector_load %arg15[%swap3A_376, %swap3A_377] {strides = array<i32>} : memref<64x128xf32, #tpu.memory_space<vmem>>, vector<16xf32>,
      tpu.vector_store %arg15[%swap3A_376, %swap3A_377], %mul3A_375 {strides = array<i32>} : memref<64x128xf32, #tpu.memory_space<vmem>>, vector<16xf32>,
      %get3A_379 = arith.index_cast %scan3A_191 : i32 to index
      %get3A_380 = arith.constant 48 : index
      %get3A_381 = tpu.vector_load %arg14[%get3A_379, %get3A_380] {strides = array<i32>} : memref<64x64xf32, #tpu.memory_space<vmem>>, vector<16xf32>,
      %mul3A_382 = arith.mulf %get3A_381, %get3A_381 : vector<16xf32>
      %mul3A_383 = arith.constant 1.36974654E-10 : f32
      %mul3A_384 = vector.broadcast %mul3A_383 : f32 to vector<16xf32>
      %mul3A_385 = arith.mulf %mul3A_384, %mul3A_382 : vector<16xf32>
      %add3A_386 = arith.constant -2.47521683E-8 : f32
      %add3A_387 = vector.broadcast %add3A_386 : f32 to vector<16xf32>
      %add3A_388 = arith.addf %mul3A_385, %add3A_387 : vector<16xf32>
      %mul3A_389 = arith.constant 1.73691317E-9 : f32
      %mul3A_390 = vector.broadcast %mul3A_389 : f32 to vector<16xf32>
      %mul3A_391 = arith.mulf %mul3A_390, %mul3A_382 : vector<16xf32>
      %add3A_392 = arith.constant -2.71133729E-7 : f32
      %add3A_393 = vector.broadcast %add3A_392 : f32 to vector<16xf32>
      %add3A_394 = arith.addf %mul3A_391, %add3A_393 : vector<16xf32>
      %mul3A_395 = arith.mulf %add3A_388, %mul3A_382 : vector<16xf32>
      %add3A_396 = arith.constant 2.75382581E-6 : f32
      %add3A_397 = vector.broadcast %add3A_396 : f32 to vector<16xf32>
      %add3A_398 = arith.addf %mul3A_395, %add3A_397 : vector<16xf32>
      %mul3A_399 = arith.mulf %add3A_394, %mul3A_382 : vector<16xf32>
      %add3A_400 = arith.constant 2.47734242E-5 : f32
      %add3A_401 = vector.broadcast %add3A_400 : f32 to vector<16xf32>
      %add3A_402 = arith.addf %mul3A_399, %add3A_401 : vector<16xf32>
      %mul3A_403 = arith.mulf %add3A_398, %mul3A_382 : vector<16xf32>
      %add3A_404 = arith.constant -1.98406473E-4 : f32
      %add3A_405 = vector.broadcast %add3A_404 : f32 to vector<16xf32>
      %add3A_406 = arith.addf %mul3A_403, %add3A_405 : vector<16xf32>
      %mul3A_407 = arith.mulf %add3A_402, %mul3A_382 : vector<16xf32>
      %add3A_408 = arith.constant -0.00138879707 : f32
      %add3A_409 = vector.broadcast %add3A_408 : f32 to vector<16xf32>
      %add3A_410 = arith.addf %mul3A_407, %add3A_409 : vector<16xf32>
      %mul3A_411 = arith.mulf %add3A_406, %mul3A_382 : vector<16xf32>
      %add3A_412 = arith.constant 0.00833332352 : f32
      %add3A_413 = vector.broadcast %add3A_412 : f32 to vector<16xf32>
      %add3A_414 = arith.addf %mul3A_411, %add3A_413 : vector<16xf32>
      %mul3A_415 = arith.mulf %add3A_410, %mul3A_382 : vector<16xf32>
      %add3A_416 = arith.constant 0.0416665226 : f32
      %add3A_417 = vector.broadcast %add3A_416 : f32 to vector<16xf32>
      %add3A_418 = arith.addf %mul3A_415, %add3A_417 : vector<16xf32>
      %mul3A_419 = arith.mulf %add3A_414, %mul3A_382 : vector<16xf32>
      %add3A_420 = arith.constant -0.166666657 : f32
      %add3A_421 = vector.broadcast %add3A_420 : f32 to vector<16xf32>
      %add3A_422 = arith.addf %mul3A_419, %add3A_421 : vector<16xf32>
      %mul3A_423 = arith.mulf %add3A_418, %mul3A_382 : vector<16xf32>
      %add3A_424 = arith.constant -0.499999911 : f32
      %add3A_425 = vector.broadcast %add3A_424 : f32 to vector<16xf32>
      %add3A_426 = arith.addf %mul3A_423, %add3A_425 : vector<16xf32>
      %mul3A_427 = arith.mulf %add3A_422, %mul3A_382 : vector<16xf32>
      %add3A_428 = arith.constant 1.000000e+00 : f32
      %add3A_429 = vector.broadcast %add3A_428 : f32 to vector<16xf32>
      %add3A_430 = arith.addf %mul3A_427, %add3A_429 : vector<16xf32>
      %mul3A_431 = arith.mulf %add3A_426, %mul3A_382 : vector<16xf32>
      %add3A_432 = arith.constant 1.000000e+00 : f32
      %add3A_433 = vector.broadcast %add3A_432 : f32 to vector<16xf32>
      %add3A_434 = arith.addf %mul3A_431, %add3A_433 : vector<16xf32>
      %swap3A_435 = arith.index_cast %scan3A_191 : i32 to index
      %swap3A_436 = arith.constant 48 : index
      %swap3A_437 = tpu.vector_load %arg15[%swap3A_435, %swap3A_436] {strides = array<i32>} : memref<64x128xf32, #tpu.memory_space<vmem>>, vector<16xf32>,
      tpu.vector_store %arg15[%swap3A_435, %swap3A_436], %add3A_434 {strides = array<i32>} : memref<64x128xf32, #tpu.memory_space<vmem>>, vector<16xf32>,
      %mul3A_438 = arith.mulf %add3A_430, %get3A_381 : vector<16xf32>
      %swap3A_439 = arith.index_cast %scan3A_191 : i32 to index
      %swap3A_440 = arith.constant 112 : index
      %swap3A_441 = tpu.vector_load %arg15[%swap3A_439, %swap3A_440] {strides = array<i32>} : memref<64x128xf32, #tpu.memory_space<vmem>>, vector<16xf32>,
      tpu.vector_store %arg15[%swap3A_439, %swap3A_440], %mul3A_438 {strides = array<i32>} : memref<64x128xf32, #tpu.memory_space<vmem>>, vector<16xf32>,
    }
    %scan3A_129 = arith.constant 64 : i32
    "tpu.region"() ({
      %run_scoped3A = tpu.sem_alloc : memref<!tpu.dma_semaphore, #tpu.memory_space<semaphore_mem>>
      %dma_start3A_191 = arith.constant 0 : i32
      %dma_start3A_192 = tpu.memref_slice %arg18[%mul3A_9, %dma_start3A_191] : memref<1024x128xf32, #tpu.memory_space<vmem_shared>> -> memref<64x128xf32, #tpu.memory_space<vmem_shared>>
      %dma_start3A_193 = arith.constant 0 : i32
      %dma_start3A_194 = tpu.memref_slice %arg18[%mul3A_9, %dma_start3A_193] : memref<1024x128xf32, #tpu.memory_space<vmem_shared>> -> memref<64x128xf32, #tpu.memory_space<vmem_shared>>
      tpu.enqueue_dma source(%arg15 : memref<64x128xf32, #tpu.memory_space<vmem>>) target(%dma_start3A_194 : memref<64x128xf32, #tpu.memory_space<vmem_shared>>) target_semaphore(%run_scoped3A : memref<!tpu.dma_semaphore, #tpu.memory_space<semaphore_mem>>)
      %dma_wait3A_195 = arith.constant 0 : i32
      %dma_wait3A_196 = tpu.memref_slice %arg18[%mul3A_9, %dma_wait3A_195] : memref<1024x128xf32, #tpu.memory_space<vmem_shared>> -> memref<64x128xf32, #tpu.memory_space<vmem_shared>>
      %dma_wait3A_197 = arith.constant 0 : i32
      %dma_wait3A_198 = tpu.memref_slice %arg18[%mul3A_9, %dma_wait3A_197] : memref<1024x128xf32, #tpu.memory_space<vmem_shared>> -> memref<64x128xf32, #tpu.memory_space<vmem_shared>>
      tpu.wait_dma2 semaphore(%run_scoped3A : memref<!tpu.dma_semaphore, #tpu.memory_space<semaphore_mem>>) src(%arg15 : memref<64x128xf32, #tpu.memory_space<vmem>>) dst(%dma_wait3A_198 : memref<64x128xf32, #tpu.memory_space<vmem_shared>>)
      tpu.yield
    }) : () -> ()
    %barrier3A = arith.constant 0 : index
    tpu.barrier barrier_id(%barrier3A)
    %dma_start3A_130 = arith.constant 0 : i32
    %dma_start3A_131 = arith.constant 0 : i32
    %dma_start3A_132 = arith.constant 0 : i32
    %dma_start3A_133 = arith.constant 0 : i32
    %dma_start3A_134 = tpu.memref_slice %arg13[%dma_start3A_130, %dma_start3A_132, %dma_start3A_133] : memref<4x64x128xf32, #tpu.memory_space<vmem>> -> memref<1x64x128xf32, #tpu.memory_space<vmem>>
    %dma_start3A_135 = tpu.memref_squeeze %dma_start3A_134 : memref<1x64x128xf32, #tpu.memory_space<vmem>> -> memref<64x128xf32, #tpu.memory_space<vmem>>
    %dma_start3A_136 = arith.constant 0 : i32
    %dma_start3A_137 = tpu.memref_slice %arg9[%dma_start3A_136] : memref<512xi32, #tpu.memory_space<vmem>> -> memref<64xi32, #tpu.memory_space<vmem>>
    %dma_start3A_138 = arith.constant 0 : i32
    %dma_start3A_139 = arith.constant 0 : i32
    %dma_start3A_140 = tpu.memref_slice %arg18[%dma_start3A_138, %dma_start3A_139] : memref<1024x128xf32, #tpu.memory_space<vmem_shared>> -> memref<1024x128xf32, #tpu.memory_space<vmem_shared>>
    %dma_start3A_141 = tpu.memref_slice %arg21[%dma_start3A_131] : memref<4x!tpu.dma_semaphore, #tpu.memory_space<semaphore_mem>> -> memref<1x!tpu.dma_semaphore, #tpu.memory_space<semaphore_mem>>
    %dma_start3A_142 = tpu.memref_squeeze %dma_start3A_141 : memref<1x!tpu.dma_semaphore, #tpu.memory_space<semaphore_mem>> -> memref<!tpu.dma_semaphore, #tpu.memory_space<semaphore_mem>>
    tpu.enqueue_indirect_dma source(%dma_start3A_140 : memref<1024x128xf32, #tpu.memory_space<vmem_shared>>) target(%dma_start3A_135 : memref<64x128xf32, #tpu.memory_space<vmem>>) offsets(%dma_start3A_137 : memref<64xi32, #tpu.memory_space<vmem>>) semaphore(%dma_start3A_142 : memref<!tpu.dma_semaphore, #tpu.memory_space<semaphore_mem>>)
    %dma_start3A_143 = arith.constant 1 : i32
    %dma_start3A_144 = arith.constant 1 : i32
    %dma_start3A_145 = arith.constant 0 : i32
    %dma_start3A_146 = arith.constant 0 : i32
    %dma_start3A_147 = tpu.memref_slice %arg13[%dma_start3A_143, %dma_start3A_145, %dma_start3A_146] : memref<4x64x128xf32, #tpu.memory_space<vmem>> -> memref<1x64x128xf32, #tpu.memory_space<vmem>>
    %dma_start3A_148 = tpu.memref_squeeze %dma_start3A_147 : memref<1x64x128xf32, #tpu.memory_space<vmem>> -> memref<64x128xf32, #tpu.memory_space<vmem>>
    %dma_start3A_149 = arith.constant 64 : i32
    %dma_start3A_150 = tpu.memref_slice %arg9[%dma_start3A_149] : memref<512xi32, #tpu.memory_space<vmem>> -> memref<64xi32, #tpu.memory_space<vmem>>
    %dma_start3A_151 = arith.constant 0 : i32
    %dma_start3A_152 = arith.constant 0 : i32
    %dma_start3A_153 = tpu.memref_slice %arg18[%dma_start3A_151, %dma_start3A_152] : memref<1024x128xf32, #tpu.memory_space<vmem_shared>> -> memref<1024x128xf32, #tpu.memory_space<vmem_shared>>
    %dma_start3A_154 = tpu.memref_slice %arg21[%dma_start3A_144] : memref<4x!tpu.dma_semaphore, #tpu.memory_space<semaphore_mem>> -> memref<1x!tpu.dma_semaphore, #tpu.memory_space<semaphore_mem>>
    %dma_start3A_155 = tpu.memref_squeeze %dma_start3A_154 : memref<1x!tpu.dma_semaphore, #tpu.memory_space<semaphore_mem>> -> memref<!tpu.dma_semaphore, #tpu.memory_space<semaphore_mem>>
    tpu.enqueue_indirect_dma source(%dma_start3A_153 : memref<1024x128xf32, #tpu.memory_space<vmem_shared>>) target(%dma_start3A_148 : memref<64x128xf32, #tpu.memory_space<vmem>>) offsets(%dma_start3A_150 : memref<64xi32, #tpu.memory_space<vmem>>) semaphore(%dma_start3A_155 : memref<!tpu.dma_semaphore, #tpu.memory_space<semaphore_mem>>)
    %dma_start3A_156 = arith.constant 2 : i32
    %dma_start3A_157 = arith.constant 2 : i32
    %dma_start3A_158 = arith.constant 0 : i32
    %dma_start3A_159 = arith.constant 0 : i32
    %dma_start3A_160 = tpu.memref_slice %arg13[%dma_start3A_156, %dma_start3A_158, %dma_start3A_159] : memref<4x64x128xf32, #tpu.memory_space<vmem>> -> memref<1x64x128xf32, #tpu.memory_space<vmem>>
    %dma_start3A_161 = tpu.memref_squeeze %dma_start3A_160 : memref<1x64x128xf32, #tpu.memory_space<vmem>> -> memref<64x128xf32, #tpu.memory_space<vmem>>
    %dma_start3A_162 = arith.constant 128 : i32
    %dma_start3A_163 = tpu.memref_slice %arg9[%dma_start3A_162] : memref<512xi32, #tpu.memory_space<vmem>> -> memref<64xi32, #tpu.memory_space<vmem>>
    %dma_start3A_164 = arith.constant 0 : i32
    %dma_start3A_165 = arith.constant 0 : i32
    %dma_start3A_166 = tpu.memref_slice %arg18[%dma_start3A_164, %dma_start3A_165] : memref<1024x128xf32, #tpu.memory_space<vmem_shared>> -> memref<1024x128xf32, #tpu.memory_space<vmem_shared>>
    %dma_start3A_167 = tpu.memref_slice %arg21[%dma_start3A_157] : memref<4x!tpu.dma_semaphore, #tpu.memory_space<semaphore_mem>> -> memref<1x!tpu.dma_semaphore, #tpu.memory_space<semaphore_mem>>
    %dma_start3A_168 = tpu.memref_squeeze %dma_start3A_167 : memref<1x!tpu.dma_semaphore, #tpu.memory_space<semaphore_mem>> -> memref<!tpu.dma_semaphore, #tpu.memory_space<semaphore_mem>>
    tpu.enqueue_indirect_dma source(%dma_start3A_166 : memref<1024x128xf32, #tpu.memory_space<vmem_shared>>) target(%dma_start3A_161 : memref<64x128xf32, #tpu.memory_space<vmem>>) offsets(%dma_start3A_163 : memref<64xi32, #tpu.memory_space<vmem>>) semaphore(%dma_start3A_168 : memref<!tpu.dma_semaphore, #tpu.memory_space<semaphore_mem>>)
    %dma_start3A_169 = arith.constant 3 : i32
    %dma_start3A_170 = arith.constant 3 : i32
    %dma_start3A_171 = arith.constant 0 : i32
    %dma_start3A_172 = arith.constant 0 : i32
    %dma_start3A_173 = tpu.memref_slice %arg13[%dma_start3A_169, %dma_start3A_171, %dma_start3A_172] : memref<4x64x128xf32, #tpu.memory_space<vmem>> -> memref<1x64x128xf32, #tpu.memory_space<vmem>>
    %dma_start3A_174 = tpu.memref_squeeze %dma_start3A_173 : memref<1x64x128xf32, #tpu.memory_space<vmem>> -> memref<64x128xf32, #tpu.memory_space<vmem>>
    %dma_start3A_175 = arith.constant 192 : i32
    %dma_start3A_176 = tpu.memref_slice %arg9[%dma_start3A_175] : memref<512xi32, #tpu.memory_space<vmem>> -> memref<64xi32, #tpu.memory_space<vmem>>
    %dma_start3A_177 = arith.constant 0 : i32
    %dma_start3A_178 = arith.constant 0 : i32
    %dma_start3A_179 = tpu.memref_slice %arg18[%dma_start3A_177, %dma_start3A_178] : memref<1024x128xf32, #tpu.memory_space<vmem_shared>> -> memref<1024x128xf32, #tpu.memory_space<vmem_shared>>
    %dma_start3A_180 = tpu.memref_slice %arg21[%dma_start3A_170] : memref<4x!tpu.dma_semaphore, #tpu.memory_space<semaphore_mem>> -> memref<1x!tpu.dma_semaphore, #tpu.memory_space<semaphore_mem>>
    %dma_start3A_181 = tpu.memref_squeeze %dma_start3A_180 : memref<1x!tpu.dma_semaphore, #tpu.memory_space<semaphore_mem>> -> memref<!tpu.dma_semaphore, #tpu.memory_space<semaphore_mem>>
    tpu.enqueue_indirect_dma source(%dma_start3A_179 : memref<1024x128xf32, #tpu.memory_space<vmem_shared>>) target(%dma_start3A_174 : memref<64x128xf32, #tpu.memory_space<vmem>>) offsets(%dma_start3A_176 : memref<64xi32, #tpu.memory_space<vmem>>) semaphore(%dma_start3A_181 : memref<!tpu.dma_semaphore, #tpu.memory_space<semaphore_mem>>)
    %iota3A = tpu.iota {dimensions = array<i32: 0>} : vector<16xi32>
    %mul3A_182 = arith.constant 16 : i32
    %mul3A_183 = vector.broadcast %mul3A_182 : i32 to vector<16xi32>
    %mul3A_184 = arith.muli %iota3A, %mul3A_183 : vector<16xi32>
    %scan3A_185 = arith.constant 0 : i32
    %scan3A_186 = arith.constant 0 : i32
    %scan3A_187 = arith.constant 8 : i32
    %scan3A_188 = arith.addi %scan3A_186, %scan3A_187 : i32
    %scan3A_189 = arith.constant 1 : i32
    scf.for %scan3A_191 = %scan3A_186 to %scan3A_188 step %scan3A_189  : i32 {
      %jit3A = arith.constant 4 : i32
      %eq3A_192 = arith.constant 0 : i32
      %eq3A_193 = arith.cmpi eq, %jit3A, %eq3A_192 : i32
      %jit3A_194 = arith.constant 1 : i32
      %select_n3A = arith.select %eq3A_193, %jit3A_194, %jit3A : i32
      %rem3A = arith.remsi %scan3A_191, %select_n3A : i32
      %ne3A = arith.constant 0 : i32
      %ne3A_195 = arith.cmpi ne, %rem3A, %ne3A : i32
      %lt3A_196 = arith.constant 0 : i32
      %lt3A_197 = arith.cmpi slt, %rem3A, %lt3A_196 : i32
      %lt3A_198 = arith.constant 0 : i32
      %lt3A_199 = arith.cmpi slt, %select_n3A, %lt3A_198 : i32
      %ne3A_200 = arith.xori %lt3A_197, %lt3A_199 : i1
      %and3A = arith.andi %ne3A_200, %ne3A_195 : i1
      %add3A_201 = arith.addi %rem3A, %select_n3A : i32
      %select_n3A_202 = arith.select %and3A, %add3A_201, %rem3A : i32
      %mul3A_203 = arith.constant 64 : i32
      %mul3A_204 = arith.muli %scan3A_191, %mul3A_203 : i32
      %dma_wait3A_205 = arith.constant 0 : i32
      %dma_wait3A_206 = arith.constant 0 : i32
      %dma_wait3A_207 = tpu.memref_slice %arg11[%select_n3A_202, %dma_wait3A_205, %dma_wait3A_206] : memref<4x64x128xf32, #tpu.memory_space<vmem>> -> memref<1x64x128xf32, #tpu.memory_space<vmem>>
      %dma_wait3A_208 = tpu.memref_squeeze %dma_wait3A_207 : memref<1x64x128xf32, #tpu.memory_space<vmem>> -> memref<64x128xf32, #tpu.memory_space<vmem>>
      %dma_wait3A_209 = tpu.memref_slice %arg8[%mul3A_204] : memref<512xi32, #tpu.memory_space<vmem>> -> memref<64xi32, #tpu.memory_space<vmem>>
      %dma_wait3A_210 = arith.constant 0 : i32
      %dma_wait3A_211 = arith.constant 0 : i32
      %dma_wait3A_212 = tpu.memref_slice %arg5[%dma_wait3A_210, %dma_wait3A_211] : memref<100000x128xf32, #tpu.memory_space<hbm>> -> memref<100000x128xf32, #tpu.memory_space<hbm>>
      %dma_wait3A_213 = tpu.memref_slice %arg20[%select_n3A_202] : memref<4x!tpu.dma_semaphore, #tpu.memory_space<semaphore_mem>> -> memref<1x!tpu.dma_semaphore, #tpu.memory_space<semaphore_mem>>
      %dma_wait3A_214 = tpu.memref_squeeze %dma_wait3A_213 : memref<1x!tpu.dma_semaphore, #tpu.memory_space<semaphore_mem>> -> memref<!tpu.dma_semaphore, #tpu.memory_space<semaphore_mem>>
      tpu.wait_indirect_dma semaphore(%dma_wait3A_214 : memref<!tpu.dma_semaphore, #tpu.memory_space<semaphore_mem>>) src(%dma_wait3A_212 : memref<100000x128xf32, #tpu.memory_space<hbm>>) dst(%dma_wait3A_208 : memref<64x128xf32, #tpu.memory_space<vmem>>)
      %dma_wait3A_215 = arith.constant 0 : i32
      %dma_wait3A_216 = arith.constant 0 : i32
      %dma_wait3A_217 = tpu.memref_slice %arg12[%select_n3A_202, %dma_wait3A_215, %dma_wait3A_216] : memref<4x64x128xf32, #tpu.memory_space<vmem>> -> memref<1x64x128xf32, #tpu.memory_space<vmem>>
      %dma_wait3A_218 = tpu.memref_squeeze %dma_wait3A_217 : memref<1x64x128xf32, #tpu.memory_space<vmem>> -> memref<64x128xf32, #tpu.memory_space<vmem>>
      %dma_wait3A_219 = tpu.memref_slice %arg10[%mul3A_204] : memref<512xi32, #tpu.memory_space<vmem>> -> memref<64xi32, #tpu.memory_space<vmem>>
      %dma_wait3A_220 = arith.constant 0 : i32
      %dma_wait3A_221 = arith.constant 0 : i32
      %dma_wait3A_222 = tpu.memref_slice %arg5[%dma_wait3A_220, %dma_wait3A_221] : memref<100000x128xf32, #tpu.memory_space<hbm>> -> memref<100000x128xf32, #tpu.memory_space<hbm>>
      %dma_wait3A_223 = tpu.memref_slice %arg20[%select_n3A_202] : memref<4x!tpu.dma_semaphore, #tpu.memory_space<semaphore_mem>> -> memref<1x!tpu.dma_semaphore, #tpu.memory_space<semaphore_mem>>
      %dma_wait3A_224 = tpu.memref_squeeze %dma_wait3A_223 : memref<1x!tpu.dma_semaphore, #tpu.memory_space<semaphore_mem>> -> memref<!tpu.dma_semaphore, #tpu.memory_space<semaphore_mem>>
      tpu.wait_indirect_dma semaphore(%dma_wait3A_224 : memref<!tpu.dma_semaphore, #tpu.memory_space<semaphore_mem>>) src(%dma_wait3A_222 : memref<100000x128xf32, #tpu.memory_space<hbm>>) dst(%dma_wait3A_218 : memref<64x128xf32, #tpu.memory_space<vmem>>)
      %mul3A_225 = arith.constant 64 : i32
      %mul3A_226 = arith.muli %scan3A_191, %mul3A_225 : i32
      %dma_wait3A_227 = arith.constant 0 : i32
      %dma_wait3A_228 = arith.constant 0 : i32
      %dma_wait3A_229 = tpu.memref_slice %arg13[%select_n3A_202, %dma_wait3A_227, %dma_wait3A_228] : memref<4x64x128xf32, #tpu.memory_space<vmem>> -> memref<1x64x128xf32, #tpu.memory_space<vmem>>
      %dma_wait3A_230 = tpu.memref_squeeze %dma_wait3A_229 : memref<1x64x128xf32, #tpu.memory_space<vmem>> -> memref<64x128xf32, #tpu.memory_space<vmem>>
      %dma_wait3A_231 = tpu.memref_slice %arg9[%mul3A_226] : memref<512xi32, #tpu.memory_space<vmem>> -> memref<64xi32, #tpu.memory_space<vmem>>
      %dma_wait3A_232 = arith.constant 0 : i32
      %dma_wait3A_233 = arith.constant 0 : i32
      %dma_wait3A_234 = tpu.memref_slice %arg18[%dma_wait3A_232, %dma_wait3A_233] : memref<1024x128xf32, #tpu.memory_space<vmem_shared>> -> memref<1024x128xf32, #tpu.memory_space<vmem_shared>>
      %dma_wait3A_235 = tpu.memref_slice %arg21[%select_n3A_202] : memref<4x!tpu.dma_semaphore, #tpu.memory_space<semaphore_mem>> -> memref<1x!tpu.dma_semaphore, #tpu.memory_space<semaphore_mem>>
      %dma_wait3A_236 = tpu.memref_squeeze %dma_wait3A_235 : memref<1x!tpu.dma_semaphore, #tpu.memory_space<semaphore_mem>> -> memref<!tpu.dma_semaphore, #tpu.memory_space<semaphore_mem>>
      tpu.wait_indirect_dma semaphore(%dma_wait3A_236 : memref<!tpu.dma_semaphore, #tpu.memory_space<semaphore_mem>>) src(%dma_wait3A_234 : memref<1024x128xf32, #tpu.memory_space<vmem_shared>>) dst(%dma_wait3A_230 : memref<64x128xf32, #tpu.memory_space<vmem>>)
      %scan3A_237 = arith.constant 0 : i32
      %scan3A_238 = arith.constant 0 : i32
      %scan3A_239 = arith.constant 4 : i32
      %scan3A_240 = arith.addi %scan3A_238, %scan3A_239 : i32
      %scan3A_241 = arith.constant 1 : i32
      scf.for %scan3A_250 = %scan3A_238 to %scan3A_240 step %scan3A_241  : i32 {
        %scan3A_251 = arith.constant 0 : i32
        %scan3A_252 = arith.constant 0 : i32
        %scan3A_253 = arith.constant 16 : i32
        %scan3A_254 = arith.addi %scan3A_252, %scan3A_253 : i32
        %scan3A_255 = arith.constant 1 : i32
        scf.for %scan3A_345 = %scan3A_252 to %scan3A_254 step %scan3A_255  : i32 {
          %mul3A_346 = arith.constant 16 : i32
          %mul3A_347 = arith.muli %scan3A_250, %mul3A_346 : i32
          %add3A_348 = arith.addi %mul3A_347, %scan3A_345 : i32
          %broadcast_in_dim3A_349 = arith.constant 0.000000e+00 : f32
          %broadcast_in_dim3A_350 = vector.broadcast %broadcast_in_dim3A_349 : f32 to vector<16xf32>
          %get3A = arith.index_cast %select_n3A_202 : i32 to index
          %get3A_351 = arith.index_cast %add3A_348 : i32 to index
          %get3A_352 = arith.constant 0 : index
          %get3A_353 = tpu.vector_load %arg11[%get3A, %get3A_351, %get3A_352] {strides = array<i32>} : memref<4x64x128xf32, #tpu.memory_space<vmem>>, vector<16xf32>,
          %get3A_354 = arith.index_cast %select_n3A_202 : i32 to index
          %get3A_355 = arith.index_cast %add3A_348 : i32 to index
          %get3A_356 = arith.constant 64 : index
          %get3A_357 = tpu.vector_load %arg11[%get3A_354, %get3A_355, %get3A_356] {strides = array<i32>} : memref<4x64x128xf32, #tpu.memory_space<vmem>>, vector<16xf32>,
          %get3A_358 = arith.index_cast %select_n3A_202 : i32 to index
          %get3A_359 = arith.index_cast %add3A_348 : i32 to index
          %get3A_360 = arith.constant 0 : index
          %get3A_361 = tpu.vector_load %arg12[%get3A_358, %get3A_359, %get3A_360] {strides = array<i32>} : memref<4x64x128xf32, #tpu.memory_space<vmem>>, vector<16xf32>,
          %get3A_362 = arith.index_cast %select_n3A_202 : i32 to index
          %get3A_363 = arith.index_cast %add3A_348 : i32 to index
          %get3A_364 = arith.constant 64 : index
          %get3A_365 = tpu.vector_load %arg12[%get3A_362, %get3A_363, %get3A_364] {strides = array<i32>} : memref<4x64x128xf32, #tpu.memory_space<vmem>>, vector<16xf32>,
          %get3A_366 = arith.index_cast %select_n3A_202 : i32 to index
          %get3A_367 = arith.index_cast %add3A_348 : i32 to index
          %get3A_368 = arith.constant 0 : index
          %get3A_369 = tpu.vector_load %arg13[%get3A_366, %get3A_367, %get3A_368] {strides = array<i32>} : memref<4x64x128xf32, #tpu.memory_space<vmem>>, vector<16xf32>,
          %get3A_370 = arith.index_cast %select_n3A_202 : i32 to index
          %get3A_371 = arith.index_cast %add3A_348 : i32 to index
          %get3A_372 = arith.constant 64 : index
          %get3A_373 = tpu.vector_load %arg13[%get3A_370, %get3A_371, %get3A_372] {strides = array<i32>} : memref<4x64x128xf32, #tpu.memory_space<vmem>>, vector<16xf32>,
          %mul3A_374 = arith.mulf %get3A_353, %get3A_369 : vector<16xf32>
          %mul3A_375 = arith.mulf %get3A_357, %get3A_373 : vector<16xf32>
          %sub3A = arith.subf %mul3A_374, %mul3A_375 : vector<16xf32>
          %sub3A_376 = arith.subf %sub3A, %get3A_361 : vector<16xf32>
          %mul3A_377 = arith.mulf %get3A_353, %get3A_373 : vector<16xf32>
          %mul3A_378 = arith.mulf %get3A_357, %get3A_369 : vector<16xf32>
          %add3A_379 = arith.addf %mul3A_377, %mul3A_378 : vector<16xf32>
          %sub3A_380 = arith.subf %add3A_379, %get3A_365 : vector<16xf32>
          %mul3A_381 = arith.mulf %sub3A_376, %sub3A_376 : vector<16xf32>
          %add3A_382 = arith.addf %broadcast_in_dim3A_350, %mul3A_381 : vector<16xf32>
          %mul3A_383 = arith.mulf %sub3A_380, %sub3A_380 : vector<16xf32>
          %add3A_384 = arith.addf %add3A_382, %mul3A_383 : vector<16xf32>
          %get3A_385 = arith.index_cast %select_n3A_202 : i32 to index
          %get3A_386 = arith.index_cast %add3A_348 : i32 to index
          %get3A_387 = arith.constant 16 : index
          %get3A_388 = tpu.vector_load %arg11[%get3A_385, %get3A_386, %get3A_387] {strides = array<i32>} : memref<4x64x128xf32, #tpu.memory_space<vmem>>, vector<16xf32>,
          %get3A_389 = arith.index_cast %select_n3A_202 : i32 to index
          %get3A_390 = arith.index_cast %add3A_348 : i32 to index
          %get3A_391 = arith.constant 80 : index
          %get3A_392 = tpu.vector_load %arg11[%get3A_389, %get3A_390, %get3A_391] {strides = array<i32>} : memref<4x64x128xf32, #tpu.memory_space<vmem>>, vector<16xf32>,
          %get3A_393 = arith.index_cast %select_n3A_202 : i32 to index
          %get3A_394 = arith.index_cast %add3A_348 : i32 to index
          %get3A_395 = arith.constant 16 : index
          %get3A_396 = tpu.vector_load %arg12[%get3A_393, %get3A_394, %get3A_395] {strides = array<i32>} : memref<4x64x128xf32, #tpu.memory_space<vmem>>, vector<16xf32>,
          %get3A_397 = arith.index_cast %select_n3A_202 : i32 to index
          %get3A_398 = arith.index_cast %add3A_348 : i32 to index
          %get3A_399 = arith.constant 80 : index
          %get3A_400 = tpu.vector_load %arg12[%get3A_397, %get3A_398, %get3A_399] {strides = array<i32>} : memref<4x64x128xf32, #tpu.memory_space<vmem>>, vector<16xf32>,
          %get3A_401 = arith.index_cast %select_n3A_202 : i32 to index
          %get3A_402 = arith.index_cast %add3A_348 : i32 to index
          %get3A_403 = arith.constant 16 : index
          %get3A_404 = tpu.vector_load %arg13[%get3A_401, %get3A_402, %get3A_403] {strides = array<i32>} : memref<4x64x128xf32, #tpu.memory_space<vmem>>, vector<16xf32>,
          %get3A_405 = arith.index_cast %select_n3A_202 : i32 to index
          %get3A_406 = arith.index_cast %add3A_348 : i32 to index
          %get3A_407 = arith.constant 80 : index
          %get3A_408 = tpu.vector_load %arg13[%get3A_405, %get3A_406, %get3A_407] {strides = array<i32>} : memref<4x64x128xf32, #tpu.memory_space<vmem>>, vector<16xf32>,
          %mul3A_409 = arith.mulf %get3A_388, %get3A_404 : vector<16xf32>
          %mul3A_410 = arith.mulf %get3A_392, %get3A_408 : vector<16xf32>
          %sub3A_411 = arith.subf %mul3A_409, %mul3A_410 : vector<16xf32>
          %sub3A_412 = arith.subf %sub3A_411, %get3A_396 : vector<16xf32>
          %mul3A_413 = arith.mulf %get3A_388, %get3A_408 : vector<16xf32>
          %mul3A_414 = arith.mulf %get3A_392, %get3A_404 : vector<16xf32>
          %add3A_415 = arith.addf %mul3A_413, %mul3A_414 : vector<16xf32>
          %sub3A_416 = arith.subf %add3A_415, %get3A_400 : vector<16xf32>
          %mul3A_417 = arith.mulf %sub3A_412, %sub3A_412 : vector<16xf32>
          %add3A_418 = arith.addf %add3A_384, %mul3A_417 : vector<16xf32>
          %mul3A_419 = arith.mulf %sub3A_416, %sub3A_416 : vector<16xf32>
          %add3A_420 = arith.addf %add3A_418, %mul3A_419 : vector<16xf32>
          %get3A_421 = arith.index_cast %select_n3A_202 : i32 to index
          %get3A_422 = arith.index_cast %add3A_348 : i32 to index
          %get3A_423 = arith.constant 32 : index
          %get3A_424 = tpu.vector_load %arg11[%get3A_421, %get3A_422, %get3A_423] {strides = array<i32>} : memref<4x64x128xf32, #tpu.memory_space<vmem>>, vector<16xf32>,
          %get3A_425 = arith.index_cast %select_n3A_202 : i32 to index
          %get3A_426 = arith.index_cast %add3A_348 : i32 to index
          %get3A_427 = arith.constant 96 : index
          %get3A_428 = tpu.vector_load %arg11[%get3A_425, %get3A_426, %get3A_427] {strides = array<i32>} : memref<4x64x128xf32, #tpu.memory_space<vmem>>, vector<16xf32>,
          %get3A_429 = arith.index_cast %select_n3A_202 : i32 to index
          %get3A_430 = arith.index_cast %add3A_348 : i32 to index
          %get3A_431 = arith.constant 32 : index
          %get3A_432 = tpu.vector_load %arg12[%get3A_429, %get3A_430, %get3A_431] {strides = array<i32>} : memref<4x64x128xf32, #tpu.memory_space<vmem>>, vector<16xf32>,
          %get3A_433 = arith.index_cast %select_n3A_202 : i32 to index
          %get3A_434 = arith.index_cast %add3A_348 : i32 to index
          %get3A_435 = arith.constant 96 : index
          %get3A_436 = tpu.vector_load %arg12[%get3A_433, %get3A_434, %get3A_435] {strides = array<i32>} : memref<4x64x128xf32, #tpu.memory_space<vmem>>, vector<16xf32>,
          %get3A_437 = arith.index_cast %select_n3A_202 : i32 to index
          %get3A_438 = arith.index_cast %add3A_348 : i32 to index
          %get3A_439 = arith.constant 32 : index
          %get3A_440 = tpu.vector_load %arg13[%get3A_437, %get3A_438, %get3A_439] {strides = array<i32>} : memref<4x64x128xf32, #tpu.memory_space<vmem>>, vector<16xf32>,
          %get3A_441 = arith.index_cast %select_n3A_202 : i32 to index
          %get3A_442 = arith.index_cast %add3A_348 : i32 to index
          %get3A_443 = arith.constant 96 : index
          %get3A_444 = tpu.vector_load %arg13[%get3A_441, %get3A_442, %get3A_443] {strides = array<i32>} : memref<4x64x128xf32, #tpu.memory_space<vmem>>, vector<16xf32>,
          %mul3A_445 = arith.mulf %get3A_424, %get3A_440 : vector<16xf32>
          %mul3A_446 = arith.mulf %get3A_428, %get3A_444 : vector<16xf32>
          %sub3A_447 = arith.subf %mul3A_445, %mul3A_446 : vector<16xf32>
          %sub3A_448 = arith.subf %sub3A_447, %get3A_432 : vector<16xf32>
          %mul3A_449 = arith.mulf %get3A_424, %get3A_444 : vector<16xf32>
          %mul3A_450 = arith.mulf %get3A_428, %get3A_440 : vector<16xf32>
          %add3A_451 = arith.addf %mul3A_449, %mul3A_450 : vector<16xf32>
          %sub3A_452 = arith.subf %add3A_451, %get3A_436 : vector<16xf32>
          %mul3A_453 = arith.mulf %sub3A_448, %sub3A_448 : vector<16xf32>
          %add3A_454 = arith.addf %add3A_420, %mul3A_453 : vector<16xf32>
          %mul3A_455 = arith.mulf %sub3A_452, %sub3A_452 : vector<16xf32>
          %add3A_456 = arith.addf %add3A_454, %mul3A_455 : vector<16xf32>
          %get3A_457 = arith.index_cast %select_n3A_202 : i32 to index
          %get3A_458 = arith.index_cast %add3A_348 : i32 to index
          %get3A_459 = arith.constant 48 : index
          %get3A_460 = tpu.vector_load %arg11[%get3A_457, %get3A_458, %get3A_459] {strides = array<i32>} : memref<4x64x128xf32, #tpu.memory_space<vmem>>, vector<16xf32>,
          %get3A_461 = arith.index_cast %select_n3A_202 : i32 to index
          %get3A_462 = arith.index_cast %add3A_348 : i32 to index
          %get3A_463 = arith.constant 112 : index
          %get3A_464 = tpu.vector_load %arg11[%get3A_461, %get3A_462, %get3A_463] {strides = array<i32>} : memref<4x64x128xf32, #tpu.memory_space<vmem>>, vector<16xf32>,
          %get3A_465 = arith.index_cast %select_n3A_202 : i32 to index
          %get3A_466 = arith.index_cast %add3A_348 : i32 to index
          %get3A_467 = arith.constant 48 : index
          %get3A_468 = tpu.vector_load %arg12[%get3A_465, %get3A_466, %get3A_467] {strides = array<i32>} : memref<4x64x128xf32, #tpu.memory_space<vmem>>, vector<16xf32>,
          %get3A_469 = arith.index_cast %select_n3A_202 : i32 to index
          %get3A_470 = arith.index_cast %add3A_348 : i32 to index
          %get3A_471 = arith.constant 112 : index
          %get3A_472 = tpu.vector_load %arg12[%get3A_469, %get3A_470, %get3A_471] {strides = array<i32>} : memref<4x64x128xf32, #tpu.memory_space<vmem>>, vector<16xf32>,
          %get3A_473 = arith.index_cast %select_n3A_202 : i32 to index
          %get3A_474 = arith.index_cast %add3A_348 : i32 to index
          %get3A_475 = arith.constant 48 : index
          %get3A_476 = tpu.vector_load %arg13[%get3A_473, %get3A_474, %get3A_475] {strides = array<i32>} : memref<4x64x128xf32, #tpu.memory_space<vmem>>, vector<16xf32>,
          %get3A_477 = arith.index_cast %select_n3A_202 : i32 to index
          %get3A_478 = arith.index_cast %add3A_348 : i32 to index
          %get3A_479 = arith.constant 112 : index
          %get3A_480 = tpu.vector_load %arg13[%get3A_477, %get3A_478, %get3A_479] {strides = array<i32>} : memref<4x64x128xf32, #tpu.memory_space<vmem>>, vector<16xf32>,
          %mul3A_481 = arith.mulf %get3A_460, %get3A_476 : vector<16xf32>
          %mul3A_482 = arith.mulf %get3A_464, %get3A_480 : vector<16xf32>
          %sub3A_483 = arith.subf %mul3A_481, %mul3A_482 : vector<16xf32>
          %sub3A_484 = arith.subf %sub3A_483, %get3A_468 : vector<16xf32>
          %mul3A_485 = arith.mulf %get3A_460, %get3A_480 : vector<16xf32>
          %mul3A_486 = arith.mulf %get3A_464, %get3A_476 : vector<16xf32>
          %add3A_487 = arith.addf %mul3A_485, %mul3A_486 : vector<16xf32>
          %sub3A_488 = arith.subf %add3A_487, %get3A_472 : vector<16xf32>
          %mul3A_489 = arith.mulf %sub3A_484, %sub3A_484 : vector<16xf32>
          %add3A_490 = arith.addf %add3A_456, %mul3A_489 : vector<16xf32>
          %mul3A_491 = arith.mulf %sub3A_488, %sub3A_488 : vector<16xf32>
          %add3A_492 = arith.addf %add3A_490, %mul3A_491 : vector<16xf32>
          %mul3A_493 = arith.constant 16 : i32
          %mul3A_494 = arith.muli %scan3A_345, %mul3A_493 : i32
          %swap3A_495 = arith.index_cast %mul3A_494 : i32 to index
          %swap3A_496 = tpu.vector_load %arg16[%swap3A_495] {strides = array<i32>} : memref<256xf32, #tpu.memory_space<vmem>>, vector<16xf32>,
          tpu.vector_store %arg16[%swap3A_495], %add3A_492 {strides = array<i32>} : memref<256xf32, #tpu.memory_space<vmem>>, vector<16xf32>,
        }
        %scan3A_256 = arith.constant 16 : i32
        %broadcast_in_dim3A = arith.constant 0.000000e+00 : f32
        %broadcast_in_dim3A_257 = vector.broadcast %broadcast_in_dim3A : f32 to vector<16xf32>
        %add3A_258 = arith.constant 0 : i32
        %add3A_259 = vector.broadcast %add3A_258 : i32 to vector<16xi32>
        %add3A_260 = arith.addi %mul3A_184, %add3A_259 : vector<16xi32>
        %gather3A = tpu.vector_load_idx %arg16[%add3A_260] : memref<256xf32, #tpu.memory_space<vmem>>[vector<16xi32>], vector<16xf32>,
        %add3A_261 = arith.addf %broadcast_in_dim3A_257, %gather3A : vector<16xf32>
        %add3A_262 = arith.constant 1 : i32
        %add3A_263 = vector.broadcast %add3A_262 : i32 to vector<16xi32>
        %add3A_264 = arith.addi %mul3A_184, %add3A_263 : vector<16xi32>
        %gather3A_265 = tpu.vector_load_idx %arg16[%add3A_264] : memref<256xf32, #tpu.memory_space<vmem>>[vector<16xi32>], vector<16xf32>,
        %add3A_266 = arith.addf %add3A_261, %gather3A_265 : vector<16xf32>
        %add3A_267 = arith.constant 2 : i32
        %add3A_268 = vector.broadcast %add3A_267 : i32 to vector<16xi32>
        %add3A_269 = arith.addi %mul3A_184, %add3A_268 : vector<16xi32>
        %gather3A_270 = tpu.vector_load_idx %arg16[%add3A_269] : memref<256xf32, #tpu.memory_space<vmem>>[vector<16xi32>], vector<16xf32>,
        %add3A_271 = arith.addf %add3A_266, %gather3A_270 : vector<16xf32>
        %add3A_272 = arith.constant 3 : i32
        %add3A_273 = vector.broadcast %add3A_272 : i32 to vector<16xi32>
        %add3A_274 = arith.addi %mul3A_184, %add3A_273 : vector<16xi32>
        %gather3A_275 = tpu.vector_load_idx %arg16[%add3A_274] : memref<256xf32, #tpu.memory_space<vmem>>[vector<16xi32>], vector<16xf32>,
        %add3A_276 = arith.addf %add3A_271, %gather3A_275 : vector<16xf32>
        %add3A_277 = arith.constant 4 : i32
        %add3A_278 = vector.broadcast %add3A_277 : i32 to vector<16xi32>
        %add3A_279 = arith.addi %mul3A_184, %add3A_278 : vector<16xi32>
        %gather3A_280 = tpu.vector_load_idx %arg16[%add3A_279] : memref<256xf32, #tpu.memory_space<vmem>>[vector<16xi32>], vector<16xf32>,
        %add3A_281 = arith.addf %add3A_276, %gather3A_280 : vector<16xf32>
        %add3A_282 = arith.constant 5 : i32
        %add3A_283 = vector.broadcast %add3A_282 : i32 to vector<16xi32>
        %add3A_284 = arith.addi %mul3A_184, %add3A_283 : vector<16xi32>
        %gather3A_285 = tpu.vector_load_idx %arg16[%add3A_284] : memref<256xf32, #tpu.memory_space<vmem>>[vector<16xi32>], vector<16xf32>,
        %add3A_286 = arith.addf %add3A_281, %gather3A_285 : vector<16xf32>
        %add3A_287 = arith.constant 6 : i32
        %add3A_288 = vector.broadcast %add3A_287 : i32 to vector<16xi32>
        %add3A_289 = arith.addi %mul3A_184, %add3A_288 : vector<16xi32>
        %gather3A_290 = tpu.vector_load_idx %arg16[%add3A_289] : memref<256xf32, #tpu.memory_space<vmem>>[vector<16xi32>], vector<16xf32>,
        %add3A_291 = arith.addf %add3A_286, %gather3A_290 : vector<16xf32>
        %add3A_292 = arith.constant 7 : i32
        %add3A_293 = vector.broadcast %add3A_292 : i32 to vector<16xi32>
        %add3A_294 = arith.addi %mul3A_184, %add3A_293 : vector<16xi32>
        %gather3A_295 = tpu.vector_load_idx %arg16[%add3A_294] : memref<256xf32, #tpu.memory_space<vmem>>[vector<16xi32>], vector<16xf32>,
        %add3A_296 = arith.addf %add3A_291, %gather3A_295 : vector<16xf32>
        %add3A_297 = arith.constant 8 : i32
        %add3A_298 = vector.broadcast %add3A_297 : i32 to vector<16xi32>
        %add3A_299 = arith.addi %mul3A_184, %add3A_298 : vector<16xi32>
        %gather3A_300 = tpu.vector_load_idx %arg16[%add3A_299] : memref<256xf32, #tpu.memory_space<vmem>>[vector<16xi32>], vector<16xf32>,
        %add3A_301 = arith.addf %add3A_296, %gather3A_300 : vector<16xf32>
        %add3A_302 = arith.constant 9 : i32
        %add3A_303 = vector.broadcast %add3A_302 : i32 to vector<16xi32>
        %add3A_304 = arith.addi %mul3A_184, %add3A_303 : vector<16xi32>
        %gather3A_305 = tpu.vector_load_idx %arg16[%add3A_304] : memref<256xf32, #tpu.memory_space<vmem>>[vector<16xi32>], vector<16xf32>,
        %add3A_306 = arith.addf %add3A_301, %gather3A_305 : vector<16xf32>
        %add3A_307 = arith.constant 10 : i32
        %add3A_308 = vector.broadcast %add3A_307 : i32 to vector<16xi32>
        %add3A_309 = arith.addi %mul3A_184, %add3A_308 : vector<16xi32>
        %gather3A_310 = tpu.vector_load_idx %arg16[%add3A_309] : memref<256xf32, #tpu.memory_space<vmem>>[vector<16xi32>], vector<16xf32>,
        %add3A_311 = arith.addf %add3A_306, %gather3A_310 : vector<16xf32>
        %add3A_312 = arith.constant 11 : i32
        %add3A_313 = vector.broadcast %add3A_312 : i32 to vector<16xi32>
        %add3A_314 = arith.addi %mul3A_184, %add3A_313 : vector<16xi32>
        %gather3A_315 = tpu.vector_load_idx %arg16[%add3A_314] : memref<256xf32, #tpu.memory_space<vmem>>[vector<16xi32>], vector<16xf32>,
        %add3A_316 = arith.addf %add3A_311, %gather3A_315 : vector<16xf32>
        %add3A_317 = arith.constant 12 : i32
        %add3A_318 = vector.broadcast %add3A_317 : i32 to vector<16xi32>
        %add3A_319 = arith.addi %mul3A_184, %add3A_318 : vector<16xi32>
        %gather3A_320 = tpu.vector_load_idx %arg16[%add3A_319] : memref<256xf32, #tpu.memory_space<vmem>>[vector<16xi32>], vector<16xf32>,
        %add3A_321 = arith.addf %add3A_316, %gather3A_320 : vector<16xf32>
        %add3A_322 = arith.constant 13 : i32
        %add3A_323 = vector.broadcast %add3A_322 : i32 to vector<16xi32>
        %add3A_324 = arith.addi %mul3A_184, %add3A_323 : vector<16xi32>
        %gather3A_325 = tpu.vector_load_idx %arg16[%add3A_324] : memref<256xf32, #tpu.memory_space<vmem>>[vector<16xi32>], vector<16xf32>,
        %add3A_326 = arith.addf %add3A_321, %gather3A_325 : vector<16xf32>
        %add3A_327 = arith.constant 14 : i32
        %add3A_328 = vector.broadcast %add3A_327 : i32 to vector<16xi32>
        %add3A_329 = arith.addi %mul3A_184, %add3A_328 : vector<16xi32>
        %gather3A_330 = tpu.vector_load_idx %arg16[%add3A_329] : memref<256xf32, #tpu.memory_space<vmem>>[vector<16xi32>], vector<16xf32>,
        %add3A_331 = arith.addf %add3A_326, %gather3A_330 : vector<16xf32>
        %add3A_332 = arith.constant 15 : i32
        %add3A_333 = vector.broadcast %add3A_332 : i32 to vector<16xi32>
        %add3A_334 = arith.addi %mul3A_184, %add3A_333 : vector<16xi32>
        %gather3A_335 = tpu.vector_load_idx %arg16[%add3A_334] : memref<256xf32, #tpu.memory_space<vmem>>[vector<16xi32>], vector<16xf32>,
        %add3A_336 = arith.addf %add3A_331, %gather3A_335 : vector<16xf32>
        %neg3A = arith.constant 0.000000e+00 : f32
        %neg3A_337 = vector.broadcast %neg3A : f32 to vector<16xf32>
        %neg3A_338 = arith.subf %neg3A_337, %add3A_336 : vector<16xf32>
        %mul3A_339 = arith.constant 64 : i32
        %mul3A_340 = arith.muli %scan3A_191, %mul3A_339 : i32
        %mul3A_341 = arith.constant 16 : i32
        %mul3A_342 = arith.muli %scan3A_250, %mul3A_341 : i32
        %add3A_343 = arith.addi %mul3A_340, %mul3A_342 : i32
        %swap3A = arith.index_cast %add3A_343 : i32 to index
        %swap3A_344 = tpu.vector_load %arg17[%swap3A] {strides = array<i32>} : memref<512xf32, #tpu.memory_space<vmem>>, vector<16xf32>,
        tpu.vector_store %arg17[%swap3A], %neg3A_338 {strides = array<i32>} : memref<512xf32, #tpu.memory_space<vmem>>, vector<16xf32>,
      }
      %scan3A_242 = arith.constant 4 : i32
      %add3A_243 = arith.constant 4 : i32
      %add3A_244 = arith.addi %scan3A_191, %add3A_243 : i32
      %lt3A_245 = arith.constant 8 : i32
      %lt3A_246 = arith.cmpi slt, %add3A_244, %lt3A_245 : i32
      %convert_element_type3A_247 = arith.extui %lt3A_246 : i1 to i32
      %cond3A_248 = arith.constant 0 : i32
      %cond3A_249 = arith.cmpi ne, %convert_element_type3A_247, %cond3A_248 : i32
      scf.if %cond3A_249 {
        %mul3A_250 = arith.constant 64 : i32
        %mul3A_251 = arith.muli %add3A_244, %mul3A_250 : i32
        %dma_start3A_252 = arith.constant 0 : i32
        %dma_start3A_253 = arith.constant 0 : i32
        %dma_start3A_254 = tpu.memref_slice %arg11[%select_n3A_202, %dma_start3A_252, %dma_start3A_253] : memref<4x64x128xf32, #tpu.memory_space<vmem>> -> memref<1x64x128xf32, #tpu.memory_space<vmem>>
        %dma_start3A_255 = tpu.memref_squeeze %dma_start3A_254 : memref<1x64x128xf32, #tpu.memory_space<vmem>> -> memref<64x128xf32, #tpu.memory_space<vmem>>
        %dma_start3A_256 = tpu.memref_slice %arg8[%mul3A_251] : memref<512xi32, #tpu.memory_space<vmem>> -> memref<64xi32, #tpu.memory_space<vmem>>
        %dma_start3A_257 = arith.constant 0 : i32
        %dma_start3A_258 = arith.constant 0 : i32
        %dma_start3A_259 = tpu.memref_slice %arg5[%dma_start3A_257, %dma_start3A_258] : memref<100000x128xf32, #tpu.memory_space<hbm>> -> memref<100000x128xf32, #tpu.memory_space<hbm>>
        %dma_start3A_260 = tpu.memref_slice %arg20[%select_n3A_202] : memref<4x!tpu.dma_semaphore, #tpu.memory_space<semaphore_mem>> -> memref<1x!tpu.dma_semaphore, #tpu.memory_space<semaphore_mem>>
        %dma_start3A_261 = tpu.memref_squeeze %dma_start3A_260 : memref<1x!tpu.dma_semaphore, #tpu.memory_space<semaphore_mem>> -> memref<!tpu.dma_semaphore, #tpu.memory_space<semaphore_mem>>
        tpu.enqueue_indirect_dma source(%dma_start3A_259 : memref<100000x128xf32, #tpu.memory_space<hbm>>) target(%dma_start3A_255 : memref<64x128xf32, #tpu.memory_space<vmem>>) offsets(%dma_start3A_256 : memref<64xi32, #tpu.memory_space<vmem>>) semaphore(%dma_start3A_261 : memref<!tpu.dma_semaphore, #tpu.memory_space<semaphore_mem>>)
        %dma_start3A_262 = arith.constant 0 : i32
        %dma_start3A_263 = arith.constant 0 : i32
        %dma_start3A_264 = tpu.memref_slice %arg12[%select_n3A_202, %dma_start3A_262, %dma_start3A_263] : memref<4x64x128xf32, #tpu.memory_space<vmem>> -> memref<1x64x128xf32, #tpu.memory_space<vmem>>
        %dma_start3A_265 = tpu.memref_squeeze %dma_start3A_264 : memref<1x64x128xf32, #tpu.memory_space<vmem>> -> memref<64x128xf32, #tpu.memory_space<vmem>>
        %dma_start3A_266 = tpu.memref_slice %arg10[%mul3A_251] : memref<512xi32, #tpu.memory_space<vmem>> -> memref<64xi32, #tpu.memory_space<vmem>>
        %dma_start3A_267 = arith.constant 0 : i32
        %dma_start3A_268 = arith.constant 0 : i32
        %dma_start3A_269 = tpu.memref_slice %arg5[%dma_start3A_267, %dma_start3A_268] : memref<100000x128xf32, #tpu.memory_space<hbm>> -> memref<100000x128xf32, #tpu.memory_space<hbm>>
        %dma_start3A_270 = tpu.memref_slice %arg20[%select_n3A_202] : memref<4x!tpu.dma_semaphore, #tpu.memory_space<semaphore_mem>> -> memref<1x!tpu.dma_semaphore, #tpu.memory_space<semaphore_mem>>
        %dma_start3A_271 = tpu.memref_squeeze %dma_start3A_270 : memref<1x!tpu.dma_semaphore, #tpu.memory_space<semaphore_mem>> -> memref<!tpu.dma_semaphore, #tpu.memory_space<semaphore_mem>>
        tpu.enqueue_indirect_dma source(%dma_start3A_269 : memref<100000x128xf32, #tpu.memory_space<hbm>>) target(%dma_start3A_265 : memref<64x128xf32, #tpu.memory_space<vmem>>) offsets(%dma_start3A_266 : memref<64xi32, #tpu.memory_space<vmem>>) semaphore(%dma_start3A_271 : memref<!tpu.dma_semaphore, #tpu.memory_space<semaphore_mem>>)
        %mul3A_272 = arith.constant 64 : i32
        %mul3A_273 = arith.muli %add3A_244, %mul3A_272 : i32
        %dma_start3A_274 = arith.constant 0 : i32
        %dma_start3A_275 = arith.constant 0 : i32
        %dma_start3A_276 = tpu.memref_slice %arg13[%select_n3A_202, %dma_start3A_274, %dma_start3A_275] : memref<4x64x128xf32, #tpu.memory_space<vmem>> -> memref<1x64x128xf32, #tpu.memory_space<vmem>>
        %dma_start3A_277 = tpu.memref_squeeze %dma_start3A_276 : memref<1x64x128xf32, #tpu.memory_space<vmem>> -> memref<64x128xf32, #tpu.memory_space<vmem>>
        %dma_start3A_278 = tpu.memref_slice %arg9[%mul3A_273] : memref<512xi32, #tpu.memory_space<vmem>> -> memref<64xi32, #tpu.memory_space<vmem>>
        %dma_start3A_279 = arith.constant 0 : i32
        %dma_start3A_280 = arith.constant 0 : i32
        %dma_start3A_281 = tpu.memref_slice %arg18[%dma_start3A_279, %dma_start3A_280] : memref<1024x128xf32, #tpu.memory_space<vmem_shared>> -> memref<1024x128xf32, #tpu.memory_space<vmem_shared>>
        %dma_start3A_282 = tpu.memref_slice %arg21[%select_n3A_202] : memref<4x!tpu.dma_semaphore, #tpu.memory_space<semaphore_mem>> -> memref<1x!tpu.dma_semaphore, #tpu.memory_space<semaphore_mem>>
        %dma_start3A_283 = tpu.memref_squeeze %dma_start3A_282 : memref<1x!tpu.dma_semaphore, #tpu.memory_space<semaphore_mem>> -> memref<!tpu.dma_semaphore, #tpu.memory_space<semaphore_mem>>
        tpu.enqueue_indirect_dma source(%dma_start3A_281 : memref<1024x128xf32, #tpu.memory_space<vmem_shared>>) target(%dma_start3A_277 : memref<64x128xf32, #tpu.memory_space<vmem>>) offsets(%dma_start3A_278 : memref<64xi32, #tpu.memory_space<vmem>>) semaphore(%dma_start3A_283 : memref<!tpu.dma_semaphore, #tpu.memory_space<semaphore_mem>>)
      } else {
      }
    }
    %scan3A_190 = arith.constant 8 : i32
    "tpu.region"() ({
      %run_scoped3A = tpu.sem_alloc : memref<!tpu.dma_semaphore, #tpu.memory_space<semaphore_mem>>
      %dma_start3A_191 = tpu.memref_slice %arg7[%mul3A_2] : memref<16384xf32, #tpu.memory_space<hbm>> -> memref<512xf32, #tpu.memory_space<hbm>>
      %dma_start3A_192 = tpu.memref_slice %arg7[%mul3A_2] : memref<16384xf32, #tpu.memory_space<hbm>> -> memref<512xf32, #tpu.memory_space<hbm>>
      tpu.enqueue_dma source(%arg17 : memref<512xf32, #tpu.memory_space<vmem>>) target(%dma_start3A_192 : memref<512xf32, #tpu.memory_space<hbm>>) target_semaphore(%run_scoped3A : memref<!tpu.dma_semaphore, #tpu.memory_space<semaphore_mem>>)
      %dma_wait3A_193 = tpu.memref_slice %arg7[%mul3A_2] : memref<16384xf32, #tpu.memory_space<hbm>> -> memref<512xf32, #tpu.memory_space<hbm>>
      %dma_wait3A_194 = tpu.memref_slice %arg7[%mul3A_2] : memref<16384xf32, #tpu.memory_space<hbm>> -> memref<512xf32, #tpu.memory_space<hbm>>
      tpu.wait_dma2 semaphore(%run_scoped3A : memref<!tpu.dma_semaphore, #tpu.memory_space<semaphore_mem>>) src(%arg17 : memref<512xf32, #tpu.memory_space<vmem>>) dst(%dma_wait3A_194 : memref<512xf32, #tpu.memory_space<hbm>>)
      tpu.yield
    }) : () -> ()
    return
  }
}

</mosaic_0001>

<sc_bundles>
// kernel: _rotate_sc.3.cloned.1.call-start
scs
__scs_entry_jumppad:
0x0: {  	(pc) =	sbr.rel $0x88, $3  }
0x1: {  	(tag) =	ssettag $0x0;
	lr =	simm.s32 $0x1  }
0x2: {  	[smem:$0x3F9C] =	sst lr;
	_ =	strace $0xD0000000  }
0x3: {  	_ = 	snop  }
0x4: {  	_ = 	snop  }
0x5: {  	_ = 	snop  }
0x6: {  	_ = 	snop  }
0x7: {  	_ = 	snop  }
__scs_overlays_trampoline_lowered:
0x8: {  	[smem:$0x3FAB] =	sst s0  }
0x9: {  	[smem:$0x3FAC] =	sst s1  }
0xa: {  	[smem:$0x3FAD] =	sst s2  }
0xb: {  	[smem:$0x3FAE] =	sst s3  }
0xc: {  	[smem:$0x3FAF] =	sst s4  }
0xd: {  	[smem:$0x3FB0] =	sst s5  }
0xe: {  	[smem:$0x3FB1] =	sst s6  }
0xf: {  	[smem:$0x3FB2] =	sst s7  }
0x10: {  	[smem:$0x3FB3] =	sst s8  }
0x11: {  	[smem:$0x3FB4] =	sst s9;
	s0 =	simm.s32 @!p0 $0x0  }
0x12: {  	s1 =	sld [smem:$0x3F9A];
	s0 =	simm.s32 @p0 $0x1  }
0x13: {  	[smem:$0x3FB5] =	sst s0;
	s0 =	simm.s32 @!p1 $0x0  }
0x14: {  	s2 =	sld [smem:$0x3F99];
	s0 =	simm.s32 @p1 $0x1  }
0x15: {  	[smem:$0x3FB6] =	sst s0;
	s0 =	simm.s32 @!p2 $0x0  }
0x16: {  	s3 =	sld [smem:$0x3FDB];
	s0 =	simm.s32 @p2 $0x1  }
0x17: {  	s4 =	simm.s32 $0x1BF5;
	[smem:$0x3FB8] =	sst s0  }
0x18: {  	s0 =	sld [smem:$0x3F9B];
	_ =	swait.ge [sflag:s4], $0x0  }
0x19: {  	s7 =	sld [smem:$0x3F9C]  }
0x1a: {  	s8 =	sadd.s32 $0xFFFFE003, lr  }
0x1b: {  	s9 =	sadd.s32 $0xFFFFFEF7, lr;
	s5 =	simm.s32 $0xFFFFFFFF;
	p2 =	slt.u32 s8, $0xFFFFF086  }
0x1c: {  	p1 =	slt.u32 s9, $0xF7A;
	s5 =	simm.s32 @!p2 $0x0  }
0x1d: {  	s5 =	simm.s32 @p1 $0x1;
	p0 =	seq.s32 s7, s2  }
0x1e: {  	s7 =	smul.u32 @!p0 $0xF7A, s2;
	p2 =	seq.s32 @!p0 s5, $0x0  }
0x1f: {  	s9 =	smul.u32 $0xF7A, s1;
	s8 =	simm.s32 @!p0 $0x1BF5;
	p2 =	por !p2, p0  }
0x20: {  	[sflag:s8] =	ssyncset.s32 @!p0 $0xFFFFF086;
	s6 =	sadd.s32 @!p0 s3, s7;
	s7 =	simm.s32 @!p0 $0x108  }
0x21: {  	s3 =	sadd.s32 s3, s9;
	s6 =	sadd.s32 @!p0 $0x88, s6;
	s7 =	simm.s32 @p2 $0x1082  }
0x22: {  	[simem:s7], [sflag:s8] =	dma.local @!p0 [hbm:s6], $0xF7A  }
0x23: {  	s9 =	sor.u32 $0xD0000000, s2;
	s6 =	simm.s32 $0x108;
	_ =	swait.ge @!p0 [sflag:s8], $0x0  }
0x24: {  	s3 =	sadd.s32 $0x88, s3;
	s6 =	simm.s32 @!p1 $0x1082;
	[sflag:s4] =	ssyncset.s32 $0xFFFFF086  }
0x25: {  	[simem:s6], [sflag:s4] =	dma.local [hbm:s3], $0xF7A  }
0x26: {  	[smem:$0x3F9C] =	sst s1;
	(tag) =	ssettag s2;
	_ =	strace s9  }
0x27: {  	s1 =	sld [smem:$0x3FAC]  }
0x28: {  	s2 =	sld [smem:$0x3FAD]  }
0x29: {  	s4 =	sld [smem:$0x3FAF]  }
0x2a: {  	p0 =	seq.s32 s5, $0x0;
	s5 =	sld [smem:$0x3FB0]  }
0x2b: {  	s6 =	sld [smem:$0x3FB1]  }
0x2c: {  	s7 =	sld [smem:$0x3FB2]  }
0x2d: {  	s3 =	simm.s32 $0x108;
	s8 =	sld [smem:$0x3FB3]  }
0x2e: {  	s3 =	simm.s32 @!p0 $0x1082;
	s9 =	sld [smem:$0x3FB4]  }
0x2f: {  	lr =	sadd.s32 s0, s3;
	s0 =	sld [smem:$0x3FAB]  }
0x30: {  	s3 =	sld [smem:$0x3FAE]  }
0x31: {  	[smem:$0x3FB7] =	sst s10  }
0x32: {  	s10 =	sld [smem:$0x3FB5];
	_ =	sdelay $0x3  }
0x33: {  	p0 =	seq.s32 s10, $0x1;
	s10 =	sld [smem:$0x3FB7];
	_ =	sdelay $0x3  }
0x34: {  	[smem:$0x3FB7] =	sst s10  }
0x35: {  	s10 =	sld [smem:$0x3FB6];
	_ =	sdelay $0x3  }
0x36: {  	p1 =	seq.s32 s10, $0x1;
	s10 =	sld [smem:$0x3FB7];
	_ =	sdelay $0x3  }
0x37: {  	[smem:$0x3FB7] =	sst s10  }
0x38: {  	s10 =	sld [smem:$0x3FB8]  }
0x39: {  	_ = 	snop;
	(pc) =	sbr.ind lr, $3  }
0x3a: {  	_ = 	snop  }
0x3b: {  	_ = 	snop  }
0x3c: {  	p2 =	seq.s32 s10, $0x1;
	s10 =	sld [smem:$0x3FB7]  }
0x3d: {  	_ =	shalt  }
0x3e: {  	_ =	shalt  }
0x3f: {  	_ =	shalt  }
0x40: {  	_ =	shalt  }
0x41: {  	_ =	shalt  }
0x42: {  	_ =	shalt  }
0x43: {  	_ =	shalt  }
0x44: {  	_ =	shalt  }
0x45: {  	_ =	shalt  }
0x46: {  	_ =	shalt  }
0x47: {  	_ =	shalt  }
0x48: {  	_ =	shalt  }
0x49: {  	_ =	shalt  }
0x4a: {  	_ =	shalt  }
0x4b: {  	_ =	shalt  }
0x4c: {  	_ =	shalt  }
0x4d: {  	_ =	shalt  }
0x4e: {  	_ =	shalt  }
0x4f: {  	_ =	shalt  }
0x50: {  	_ =	shalt  }
0x51: {  	_ =	shalt  }
0x52: {  	_ =	shalt  }
0x53: {  	_ =	shalt  }
0x54: {  	_ =	shalt  }
0x55: {  	_ =	shalt  }
0x56: {  	_ =	shalt  }
0x57: {  	_ =	shalt  }
0x58: {  	_ =	shalt  }
0x59: {  	_ =	shalt  }
0x5a: {  	_ =	shalt  }
0x5b: {  	_ =	shalt  }
0x5c: {  	_ =	shalt  }
0x5d: {  	_ =	shalt  }
0x5e: {  	_ =	shalt  }
0x5f: {  	_ =	shalt  }
0x60: {  	_ =	shalt  }
0x61: {  	_ =	shalt  }
0x62: {  	_ =	shalt  }
0x63: {  	_ =	shalt  }
0x64: {  	_ =	shalt  }
0x65: {  	_ =	shalt  }
0x66: {  	_ =	shalt  }
0x67: {  	_ =	shalt  }
0x68: {  	_ =	shalt  }
0x69: {  	_ =	shalt  }
0x6a: {  	_ =	shalt  }
0x6b: {  	_ =	shalt  }
0x6c: {  	_ =	shalt  }
0x6d: {  	_ =	shalt  }
0x6e: {  	_ =	shalt  }
0x6f: {  	_ =	shalt  }
0x70: {  	_ =	shalt  }
0x71: {  	_ =	shalt  }
0x72: {  	_ =	shalt  }
0x73: {  	_ =	shalt  }
0x74: {  	_ =	shalt  }
0x75: {  	_ =	shalt  }
0x76: {  	_ =	shalt  }
0x77: {  	_ =	shalt  }
0x78: {  	_ =	shalt  }
0x79: {  	_ =	shalt  }
0x7a: {  	_ =	shalt  }
0x7b: {  	_ =	shalt  }
0x7c: {  	_ =	shalt  }
0x7d: {  	_ =	shalt  }
0x7e: {  	_ =	shalt  }
0x7f: {  	_ =	shalt  }
0x80: {  	_ =	shalt  }
0x81: {  	_ =	shalt  }
0x82: {  	_ =	shalt  }
0x83: {  	_ =	shalt  }
0x84: {  	_ =	shalt  }
0x85: {  	_ =	shalt  }
0x86: {  	_ =	shalt  }
0x87: {  	_ =	shalt  }
.Lfunc_end0:
.L_simem_size_0:
called_computation_lowered:
.L_overlay_start_0:
0x88: {  	s2 =	sld [smem:$0x3FD9]  }
0x89: {  	s3 =	sld [smem:$0x3FFE];
	_ =	sdelay $0x1  }
0x8a: {  	s1 =	srdreg.scid  }
0x8b: {  	s0 =	sand.u32 $0x1, s1  }
0x8c: {  	s17 =	sshll.u32 s0, $0xA;
	s2 =	sadd.s32 s3, s2  }
0x8d: {  	s2 =	sadd.s32 s2, s17  }
0x8e: {  	[smem:$0x3FC3] =	sst s2  }
0x8f: {  	_ = 	snop  }
0x90: {  	s2 =	sld [smem:$0x3FC9]  }
0x91: {  	s18 =	sld [smem:$0x3FC8]  }
0x92: {  	s4 =	sld [smem:$0x3FC7]  }
0x93: {  	s5 =	sld [smem:$0x3FC6]  }
0x94: {  	s6 =	sld [smem:$0x3FD0];
	(tm) =	ssettm $0x1  }
0x95: {  	s7 =	sld [smem:$0x3FFB];
	_ =	sdelay $0x3  }
0x96: {  	_ =	strace s7  }
0x97: {  	s7 =	sld [smem:$0x3FFC];
	_ =	sdelay $0x3  }
0x98: {  	_ =	strace s7  }
0x99: {  	s7 =	sld [smem:$0x3FFD];
	_ =	sdelay $0x3  }
0x9a: {  	_ =	strace s7  }
0x9b: {  	_ =	strace $0x8FFFFFFF  }
0x9c: {  	s19 =	sld [smem:$0x3FDB];
	_ =	sdelay $0x1  }
0x9d: {  	s8 =	simm.s32 $_scs_section_size  }
0x9e: {  	s9 =	simm.s32 $_size__tile_overlayer_lowered;
	s10 =	simm.s32 $_tile_overlayer_lowered  }
0x9f: {  	s22 =	simm.s32 $0x1BFF;
	s21 =	sshll.u32 s10, $0x1;
	s7 =	sadd.s32 s8, s19  }
0xa0: {  	s11 =	simm.s32 $0x0;
	s20 =	sshll.u32 s9, $0x1;
	s9 =	sadd.s32 s21, s7  }
0xa1: {  	[timem:s11], [sflag:s22] =	dma.local [hbm:s9], s20  }
0xa2: {  	_ =	swait.ge [sflag:s22], s20  }
0xa3: {  	s8 =	ssub.s32 $0x0, s20;
	[sflag:s22] =	ssyncset.done $0x0  }
0xa4: {  	[sflag:s22] =	ssyncadd.s32 s8;
	_ =	sdelay $0x1  }
0xa5: {  	s23 =	simm.s32 $0x1B8B  }
0xa6: {  	_ =	swait.ge [sflag:s23], $0x1  }
0xa7: {  	[sflag:s23] =	ssyncset.done $0x0  }
0xa8: {  	s25 =	simm.s32 $0x1B8E;
	s24 =	sld [smem:$0x3FFE];
	[sflag:s23] =	ssyncadd.s32 $0xFFFFFFFF  }
0xa9: {  	s26 =	simm.s32 $execute0_lowered;
	[smem:$0x3FD2] =	sst s25  }
0xaa: {  	s9 =	sshll.u32 s26, $0x1;
	_ =	strace $0x80000046;
	[dreg:$0x1] =	wrdreg $0xFFFFFFFF  }
0xab: {  	s28 =	simm.s32 $_size_execute0_lowered;
	s7 =	sadd.s32 s7, s9;
	[dreg:$0x0] =	wrdreg $0x0  }
0xac: {  	s9 =	sshll.u32 s28, $0x1;
	[dreg:$0x2] =	wrdreg s7  }
0xad: {  	[dreg:$0x3] =	wrdreg s9  }
0xae: {  	[dreg:$0x4] =	wrdreg $0xC0  }
0xaf: {  	_ =	task [dreg:s11], $0x5FFFF  }
0xb0: {  	[dreg:$0x1] =	wrdreg $0xFFFFFFFF  }
0xb1: {  	[dreg:$0x0] =	wrdreg $0x60  }
0xb2: {  	[dreg:$0x2] =	wrdreg s2  }
0xb3: {  	[dreg:$0x3] =	wrdreg s18  }
0xb4: {  	[dreg:$0x4] =	wrdreg s4  }
0xb5: {  	[dreg:$0x5] =	wrdreg s5  }
0xb6: {  	[dreg:$0x6] =	wrdreg s24  }
0xb7: {  	[dreg:$0x7] =	wrdreg s6  }
0xb8: {  	[dreg:$0x8] =	wrdreg $0x1C9000  }
0xb9: {  	[dreg:$0x9] =	wrdreg $0x9  }
0xba: {  	_ =	task.clear_ibuf [dreg:s11], $0xAFFFF;
	_ =	strace $0x90000046  }
0xbb: {  	s29 =	simm.s32 $0x9;
	_ =	strace $0x80000048  }
0xbc: {  	_ =	swait.ge [sflag:s29], $0x1  }
0xbd: {  	[sflag:s29] =	ssyncadd.s32 $0xFFFFFFFF  }
0xbe: {  	_ =	strace $0x90000048  }
0xbf: {  	_ =	sfence  }
0xc0: {  	s30 =	sld [smem:$0x0];
	_ =	sdelay $0x2  }
0xc1: {  	s31 =	sshll.u32 s1, $0xD;
	s1 =	sshrl.u32 s1, $0x2  }
0xc2: {  	s3 =	sand.u32 $0x4000, s31;
	s1 =	sadd.s32 s1, s30  }
0xc3: {  	s0 =	sor.u32 s3, s0;
	s1 =	sshll.u32 s1, $0x11  }
0xc4: {  	s0 =	sor.u32 s1, s0  }
0xc5: {  	s0 =	sadd.s32 $0x8F2B, s0  }
0xc6: {  	[sflag:s0] =	ssyncadd.remote.s32 $0x1  }
0xc7: {  	_ =	sfence.sel $0xFFFF  }
0xc8: {  	[dreg:$0x0] =	wrdreg $0xFFFFFFFF;
	(pc) =	sbr.abs _section_cstart, $3  }
0xc9: {  	[dreg:$0x1] =	wrdreg $0xFFFFFFFF  }
0xca: {  	_ =	task.clear_ibuf [dreg:s11], $0x2FFFF;
	_ =	strace $0x9FFFFFFF  }
0xcb: {  	(tm) =	ssettm $0x7FFFFFFF  }
tec
execute0_lowered:
.L_overlay_start_1:
0x0: {  	(tag) =	ssettag $0x1  }
0x1: {  	s0 =	rddreg [dreg:$0x0]  }
0x2: {  	s3 =	rddreg [dreg:$0x1]  }
0x3: {  	s7 =	rddreg [dreg:$0x2]  }
0x4: {  	s1 =	rddreg [dreg:$0x3]  }
0x5: {  	s9 =	rddreg [dreg:$0x4]  }
0x6: {  	s11 =	rddreg [dreg:$0x5]  }
0x7: {  	s2 =	rddreg [dreg:$0x6]  }
0x8: {  	s4 =	simm.s32 $0x0;
	s5 =	srdreg.scid;
	s15 =	stileid.u32  }
0x9: {  	s16 =	simm.s32 $0x40;
	s22 =	simm.s32 $0x16600;
	s23 =	simm.s32 $0x1C600  }
0xa: {  	s24 =	simm.s32 $0x1C700;
	s25 =	simm.s32 $0x0;
	[smem:$0x7FF] =	sst s4  }
0xb: {  	v0 =	vlaneseq.u32;
	s5 =	sand.u32 $0x1, s5;
	s6 =	sshll.u32 s15, $0xA;
	s31 =	sshll.u32 s15, $0xD  }
0xc: {  	p0 =	seq.s32 s15, $0xF;
	s15 =	simm.s32 $0x1;
	v0 =	vmul.u32 $0x10, v0;
	s8 =	ssub.s32 $0x2, s5  }
0xd: {  	s5 =	sshll.u32 s5, $0x9;
	_ =	strace $0x80000047;
	s12 =	sadd.s32 s6, s9  }
0xe: {  	s9 =	sadd.s32 $0x4000, s9;
	s10 =	sshrl.u32 s8, $0x1;
	s5 =	sor.u32 s5, s6;
	v1 =	vor.u32 $0x1, v0;
	v2 =	vor.u32 $0x2, v0;
	v3 =	vor.u32 $0x3, v0  }
0xf: {  	v4 =	vor.u32 $0x4, v0;
	v5 =	vor.u32 $0x5, v0;
	v6 =	vor.u32 $0x6, v0;
	s13 =	ssub.s32 s8, s10;
	s14 =	sshrl.u32 s5, $0x3;
	s8 =	sadd.s32 $0x400, s12  }
0x10: {  	v7 =	vor.u32 $0x7, v0;
	v8 =	vor.u32 $0x8, v0;
	v9 =	vor.u32 $0x9, v0;
	s10 =	sadd.s32 s31, s2;
	s5 =	sadd.s32 s0, s14;
	s6 =	sadd.s32 s3, s14  }
0x11: {  	v10 =	vor.u32 $0xA, v0;
	v11 =	vor.u32 $0xB, v0;
	v12 =	vor.u32 $0xC, v0;
	s7 =	sadd.s32 s7, s14;
	s11 =	sadd.s32 s11, s14;
	s12 =	smax.u32 s13, $0x1  }
0x12: {  	v13 =	vor.u32 $0xD, v0;
	v14 =	vor.u32 $0xE, v0;
	v15 =	vor.u32 $0xF, v0;
	s13 =	simm.s32 $0x200;
	s14 =	simm.s32 $0x400;
	s0 =	simm.s32 $0xA  }
.LBB2_1:
0x13: {  	[tilespmem:s4], [sflag:$0x1] =	stream.linear.gather [hbm4b:s5+s4], $0x200, $0x38;
	[tilespmem:$0x1E900] =	vst v63  }
0x14: {  	_ = 	snop  }
0x15: {  	[tilespmem:s13], [sflag:$0x1] =	stream.linear.gather [hbm4b:s6+s4], $0x200, $0x38;
	[tilespmem:$0x1E900] =	vst v63  }
0x16: {  	_ = 	snop  }
0x17: {  	[tilespmem:s14], [sflag:$0x1] =	stream.linear.gather [hbm4b:s7+s4], $0x200, $0x38;
	[tilespmem:$0x1E900] =	vst v63  }
0x18: {  	s3 =	simm.s32 @p0 $0x0;
	s17 =	simm.s32 @p0 $0x18600  }
0x19: {  	[tilespmem:s17], [sflag:$0xA] =	stream.linear.gather @p0 [hbm4b:s9+s3], $0x1400, $0x38;
	[tilespmem:$0x1E900] =	vst v63  }
0x1a: {  	s3 =	simm.s32 @p0 $0xA  }
0x1b: {  	_ =	swait.ge @p0 [sflag:s3], $0x1400  }
0x1c: {  	[sflag:s3] =	ssyncset.done @p0 $0x0  }
0x1d: {  	s17 =	simm.s32 @!p0 $0x18600;
	[sflag:s3] =	ssyncadd.s32 @p0 $0xFFFFEC00;
	s3 =	simm.s32 @!p0 $0x0  }
0x1e: {  	[tilespmem:s17], [sflag:$0xA] =	stream.linear.gather @!p0 [hbm4b:s8+s3], $0x2000, $0x38;
	[tilespmem:$0x1E900] =	vst v63  }
0x1f: {  	s3 =	simm.s32 @!p0 $0xA  }
0x20: {  	_ =	swait.ge @!p0 [sflag:s3], $0x2000  }
0x21: {  	[sflag:s3] =	ssyncset.done @!p0 $0x0  }
0x22: {  	[sflag:s3] =	ssyncadd.s32 @!p0 $0xFFFFE000  }
0x23: {  	_ =	swait.ge [sflag:s15], $0x200  }
0x24: {  	[sflag:s15] =	ssyncset.done $0x0  }
0x25: {  	[sflag:s15] =	ssyncadd.s32 $0xFFFFFE00  }
0x26: {  	_ =	swait.ge [sflag:s15], $0x200  }
0x27: {  	[sflag:s15] =	ssyncset.done $0x0  }
0x28: {  	[sflag:s15] =	ssyncadd.s32 $0xFFFFFE00  }
0x29: {  	_ =	swait.ge [sflag:s15], $0x200  }
0x2a: {  	[sflag:s15] =	ssyncset.done $0x0  }
0x2b: {  	s29 =	simm.s32 $0x600;
	[sflag:s15] =	ssyncadd.s32 $0xFFFFFE00  }
0x2c: {  	[tilespmem:s29], [sflag:$0x2] =	stream.indirect.gather [hbm4b:s1+s16], $0x80, s4, s16, $0xb8;
	[tilespmem:$0x1E900] =	vst v63  }
0x2d: {  	s30 =	simm.s32 $0x8600  }
0x2e: {  	[tilespmem:s30], [sflag:$0x2] =	stream.indirect.gather [hbm4b:s1+s16], $0x80, s14, s16, $0xb8;
	[tilespmem:$0x1E900] =	vst v63  }
0x2f: {  	s31 =	simm.s32 $0x2600  }
0x30: {  	[tilespmem:s31], [sflag:$0x3] =	stream.indirect.gather [hbm4b:s1+s16], $0x80, s16, s16, $0xb8;
	[tilespmem:$0x1E900] =	vst v63  }
0x31: {  	s18 =	simm.s32 $0xA600;
	s17 =	simm.s32 $0x440  }
0x32: {  	[tilespmem:s18], [sflag:$0x3] =	stream.indirect.gather [hbm4b:s1+s16], $0x80, s17, s16, $0xb8;
	[tilespmem:$0x1E900] =	vst v63  }
0x33: {  	s19 =	simm.s32 $0x80;
	s20 =	simm.s32 $0x4600  }
0x34: {  	[tilespmem:s20], [sflag:$0x4] =	stream.indirect.gather [hbm4b:s1+s16], $0x80, s19, s16, $0xb8;
	[tilespmem:$0x1E900] =	vst v63  }
0x35: {  	s21 =	simm.s32 $0x480;
	s26 =	simm.s32 $0xC600  }
0x36: {  	[tilespmem:s26], [sflag:$0x4] =	stream.indirect.gather [hbm4b:s1+s16], $0x80, s21, s16, $0xb8;
	[tilespmem:$0x1E900] =	vst v63  }
0x37: {  	s28 =	simm.s32 $0xC0;
	s29 =	simm.s32 $0x6600  }
0x38: {  	[tilespmem:s29], [sflag:$0x5] =	stream.indirect.gather [hbm4b:s1+s16], $0x80, s28, s16, $0xb8;
	[tilespmem:$0x1E900] =	vst v63  }
0x39: {  	s30 =	simm.s32 $0x4C0;
	s31 =	simm.s32 $0xE600;
	s26 =	simm.s32 $0x0  }
0x3a: {  	[tilespmem:s31], [sflag:$0x5] =	stream.indirect.gather [hbm4b:s1+s16], $0x80, s30, s16, $0xb8;
	[tilespmem:$0x1E900] =	vst v63  }
0x3b: {  	v23 =	vld [tilespmem:s26+$0x18630]  }
0x3c: {  	v19 =	vld [tilespmem:s26+$0x18600]  }
0x3d: {  	v18 =	vld [tilespmem:s26+$0x18610]  }
0x3e: {  	v17 =	vld [tilespmem:s26+$0x18620];
	_ =	sdelay $0x2  }
0x3f: {  	v16 =	vmul.f32 v23, v23  }
0x40: {  	v20 =	vmul.f32 v19, v19;
	v21 =	vmul.f32 v18, v18  }
0x41: {  	v22 =	vmul.f32 v17, v17;
	v24 =	vmul.f32 $1.369746540e-10, v16  }
0x42: {  	v25 =	vmul.f32 $1.369746540e-10, v20;
	v26 =	vmul.f32 $1.736913170e-09, v20  }
0x43: {  	v27 =	vmul.f32 $1.369746540e-10, v21;
	v28 =	vmul.f32 $1.736913170e-09, v21  }
0x44: {  	v29 =	vmul.f32 $1.369746540e-10, v22;
	v30 =	vmul.f32 $1.736913170e-09, v22;
	v24 =	vadd.f32 $-2.475216830e-08, v24  }
0x45: {  	v31 =	vmul.f32 $1.736913170e-09, v16;
	v25 =	vadd.f32 $-2.475216830e-08, v25;
	v27 =	vadd.f32 $-2.475216830e-08, v27  }
0x46: {  	v29 =	vadd.f32 $-2.475216830e-08, v29;
	v26 =	vadd.f32 $-2.711337290e-07, v26;
	v24 =	vmul.f32 v24, v16  }
0x47: {  	v28 =	vadd.f32 $-2.711337290e-07, v28;
	v30 =	vadd.f32 $-2.711337290e-07, v30;
	v25 =	vmul.f32 v25, v20  }
0x48: {  	v27 =	vmul.f32 v27, v21;
	v29 =	vmul.f32 v29, v22;
	v24 =	vadd.f32 $2.753825810e-06, v24  }
0x49: {  	v31 =	vadd.f32 $-2.711337290e-07, v31;
	v26 =	vmul.f32 v26, v20;
	v28 =	vmul.f32 v28, v21  }
0x4a: {  	v25 =	vadd.f32 $2.753825810e-06, v25;
	v27 =	vadd.f32 $2.753825810e-06, v27;
	v24 =	vmul.f32 v24, v16  }
0x4b: {  	v30 =	vmul.f32 v30, v22;
	v29 =	vadd.f32 $2.753825810e-06, v29;
	v26 =	vadd.f32 $2.477342420e-05, v26  }
0x4c: {  	v31 =	vmul.f32 v31, v16;
	v28 =	vadd.f32 $2.477342420e-05, v28;
	v24 =	vadd.f32 $-1.984064730e-04, v24  }
0x4d: {  	v30 =	vadd.f32 $2.477342420e-05, v30;
	v25 =	vmul.f32 v25, v20;
	v27 =	vmul.f32 v27, v21  }
0x4e: {  	v31 =	vadd.f32 $2.477342420e-05, v31;
	v29 =	vmul.f32 v29, v22;
	v24 =	vmul.f32 v24, v16  }
0x4f: {  	v26 =	vmul.f32 v26, v20;
	v28 =	vmul.f32 v28, v21;
	v25 =	vadd.f32 $-1.984064730e-04, v25  }
0x50: {  	v30 =	vmul.f32 v30, v22;
	v27 =	vadd.f32 $-1.984064730e-04, v27;
	v24 =	vadd.f32 $8.333323520e-03, v24  }
0x51: {  	v31 =	vmul.f32 v31, v16;
	v29 =	vadd.f32 $-1.984064730e-04, v29;
	v26 =	vadd.f32 $-1.388797070e-03, v26  }
0x52: {  	v28 =	vadd.f32 $-1.388797070e-03, v28;
	v30 =	vadd.f32 $-1.388797070e-03, v30;
	v24 =	vmul.f32 v24, v16  }
0x53: {  	v31 =	vadd.f32 $-1.388797070e-03, v31;
	v25 =	vmul.f32 v25, v20;
	v27 =	vmul.f32 v27, v21  }
0x54: {  	v29 =	vmul.f32 v29, v22;
	v26 =	vmul.f32 v26, v20;
	v24 =	vadd.f32 $-1.666666570e-01, v24  }
0x55: {  	v28 =	vmul.f32 v28, v21;
	v30 =	vmul.f32 v30, v22;
	v25 =	vadd.f32 $8.333323520e-03, v25  }
0x56: {  	v27 =	vadd.f32 $8.333323520e-03, v27;
	v29 =	vadd.f32 $8.333323520e-03, v29;
	v24 =	vmul.f32 v24, v16  }
0x57: {  	v31 =	vmul.f32 v31, v16;
	v26 =	vadd.f32 $4.166652260e-02, v26;
	v28 =	vadd.f32 $4.166652260e-02, v28  }
0x58: {  	v25 =	vmul.f32 v25, v20;
	v27 =	vmul.f32 v27, v21;
	v24 =	vadd.f32 $1.000000000e+00, v24  }
0x59: {  	v30 =	vadd.f32 $4.166652260e-02, v30;
	v29 =	vmul.f32 v29, v22;
	v28 =	vmul.f32 v28, v21  }
0x5a: {  	v31 =	vadd.f32 $4.166652260e-02, v31;
	v23 =	vmul.f32 v24, v23;
	v24 =	vmul.f32 v26, v20  }
0x5b: {  	v30 =	vmul.f32 v30, v22;
	v25 =	vadd.f32 $-1.666666570e-01, v25;
	v27 =	vadd.f32 $-1.666666570e-01, v27  }
0x5c: {  	s3 =	simm.s32 $0x80;
	s17 =	simm.s32 $0x400;
	v26 =	vadd.f32 $-1.666666570e-01, v29;
	v29 =	vmul.f32 v31, v16;
	[tilespmem:s26+$0x1A670] =	vst v23;
	v24 =	vadd.f32 $-4.999999110e-01, v24  }
.LBB2_2:
0x5d: {  	p1 =	sne.s32 s17, $0x7E00;
	v23 =	vld [tilespmem:s3+$0x18630];
	v25 =	vmul.f32 v25, v20;
	v28 =	vadd.f32 $-4.999999110e-01, v28;
	v27 =	vmul.f32 v27, v21  }
0x5e: {  	v26 =	vmul.f32 v26, v22;
	v31 =	vld [tilespmem:s3+$0x18600];
	v30 =	vadd.f32 $-4.999999110e-01, v30;
	v29 =	vadd.f32 $-4.999999110e-01, v29  }
0x5f: {  	v20 =	vmul.f32 v24, v20;
	v32 =	vld [tilespmem:s3+$0x18610];
	v25 =	vadd.f32 $1.000000000e+00, v25;
	v24 =	vadd.f32 $1.000000000e+00, v27  }
0x60: {  	v21 =	vmul.f32 v28, v21;
	v26 =	vadd.f32 $1.000000000e+00, v26;
	v27 =	vld [tilespmem:s3+$0x18620];
	v22 =	vmul.f32 v30, v22  }
0x61: {  	v28 =	vadd.f32 $1.000000000e+00, v20;
	v30 =	vmul.f32 v25, v19;
	v25 =	vmul.f32 v29, v16  }
0x62: {  	v29 =	vadd.f32 $1.000000000e+00, v21;
	v33 =	vmul.f32 v24, v18;
	v16 =	vmul.f32 v23, v23  }
0x63: {  	v34 =	vmul.f32 v26, v17;
	v24 =	vadd.f32 $1.000000000e+00, v22;
	v20 =	vmul.f32 v31, v31;
	[tilespmem:s26+$0x1A640] =	vst v30;
	v19 =	vmovc v31  }
0x64: {  	v25 =	vadd.f32 $1.000000000e+00, v25;
	v21 =	vmul.f32 v32, v32;
	v26 =	vmul.f32 $1.369746540e-10, v16;
	[tilespmem:s26+$0x1A650] =	vst v33;
	v18 =	vmovc v32  }
0x65: {  	v30 =	vmul.f32 $1.369746540e-10, v20;
	v22 =	vmul.f32 v27, v27;
	[tilespmem:s26+$0x1A660] =	vst v34;
	v17 =	vmov v27  }
0x66: {  	v27 =	vmul.f32 $1.736913170e-09, v20;
	v31 =	vmul.f32 $1.369746540e-10, v21;
	v26 =	vadd.f32 $-2.475216830e-08, v26  }
0x67: {  	v32 =	vmul.f32 $1.736913170e-09, v21;
	v30 =	vadd.f32 $-2.475216830e-08, v30;
	v33 =	vmul.f32 $1.369746540e-10, v22  }
0x68: {  	v34 =	vmul.f32 $1.736913170e-09, v22;
	v31 =	vadd.f32 $-2.475216830e-08, v31;
	v26 =	vmul.f32 v26, v16;
	[tilespmem:s26+$0x1A600] =	vst v28  }
0x69: {  	v28 =	vmul.f32 v30, v20;
	v30 =	vadd.f32 $-2.475216830e-08, v33;
	v33 =	vmul.f32 $1.736913170e-09, v16;
	[tilespmem:s26+$0x1A610] =	vst v29  }
0x6a: {  	v27 =	vadd.f32 $-2.711337290e-07, v27;
	v29 =	vmul.f32 v31, v21;
	v26 =	vadd.f32 $2.753825810e-06, v26;
	[tilespmem:s26+$0x1A620] =	vst v24  }
0x6b: {  	v24 =	vadd.f32 $-2.711337290e-07, v32;
	v31 =	vadd.f32 $-2.711337290e-07, v34;
	v30 =	vmul.f32 v30, v22;
	[tilespmem:s26+$0x1A630] =	vst v25;
	s26 =	smov.u32 s3  }
0x6c: {  	v25 =	vadd.f32 $2.753825810e-06, v28;
	v28 =	vadd.f32 $-2.711337290e-07, v33;
	v26 =	vmul.f32 v26, v16  }
0x6d: {  	v27 =	vmul.f32 v27, v20;
	v29 =	vadd.f32 $2.753825810e-06, v29;
	v30 =	vadd.f32 $2.753825810e-06, v30  }
0x6e: {  	v24 =	vmul.f32 v24, v21;
	v31 =	vmul.f32 v31, v22;
	v26 =	vadd.f32 $-1.984064730e-04, v26  }
0x6f: {  	v27 =	vadd.f32 $2.477342420e-05, v27;
	v25 =	vmul.f32 v25, v20;
	v28 =	vmul.f32 v28, v16  }
0x70: {  	v24 =	vadd.f32 $2.477342420e-05, v24;
	v29 =	vmul.f32 v29, v21;
	v26 =	vmul.f32 v26, v16  }
0x71: {  	v31 =	vadd.f32 $2.477342420e-05, v31;
	v30 =	vmul.f32 v30, v22;
	v28 =	vadd.f32 $2.477342420e-05, v28  }
0x72: {  	v27 =	vmul.f32 v27, v20;
	v25 =	vadd.f32 $-1.984064730e-04, v25;
	v26 =	vadd.f32 $8.333323520e-03, v26  }
0x73: {  	v29 =	vadd.f32 $-1.984064730e-04, v29;
	v24 =	vmul.f32 v24, v21;
	v30 =	vadd.f32 $-1.984064730e-04, v30  }
0x74: {  	v27 =	vadd.f32 $-1.388797070e-03, v27;
	v31 =	vmul.f32 v31, v22;
	v26 =	vmul.f32 v26, v16  }
0x75: {  	v25 =	vmul.f32 v25, v20;
	v28 =	vmul.f32 v28, v16;
	v24 =	vadd.f32 $-1.388797070e-03, v24  }
0x76: {  	v29 =	vmul.f32 v29, v21;
	v30 =	vmul.f32 v30, v22;
	v26 =	vadd.f32 $-1.666666570e-01, v26  }
0x77: {  	v27 =	vmul.f32 v27, v20;
	v31 =	vadd.f32 $-1.388797070e-03, v31;
	v28 =	vadd.f32 $-1.388797070e-03, v28  }
0x78: {  	v25 =	vadd.f32 $8.333323520e-03, v25;
	v29 =	vadd.f32 $8.333323520e-03, v29;
	v26 =	vmul.f32 v26, v16  }
0x79: {  	v24 =	vmul.f32 v24, v21;
	v31 =	vmul.f32 v31, v22;
	v30 =	vadd.f32 $8.333323520e-03, v30  }
0x7a: {  	v25 =	vmul.f32 v25, v20;
	v28 =	vmul.f32 v28, v16;
	v26 =	vadd.f32 $1.000000000e+00, v26  }
.Ltmp0:
0x7b: {  	v27 =	vadd.f32 $4.166652260e-02, v27;
	v29 =	vmul.f32 v29, v21;
	v30 =	vmul.f32 v30, v22;
	(pc) =	sbr.rel @p1 .LBB2_2-.Ltmp0, $4  }
0x7c: {  	v24 =	vadd.f32 $4.166652260e-02, v24;
	v31 =	vadd.f32 $4.166652260e-02, v31;
	v23 =	vmul.f32 v26, v23  }
0x7d: {  	v32 =	vmul.f32 v27, v20;
	v25 =	vadd.f32 $-1.666666570e-01, v25;
	v33 =	vadd.f32 $4.166652260e-02, v28  }
0x7e: {  	v27 =	vadd.f32 $-1.666666570e-01, v29;
	v28 =	vmul.f32 v24, v21;
	v26 =	vadd.f32 $-1.666666570e-01, v30;
	[tilespmem:s26+$0x1A670] =	vst v23  }
0x7f: {  	s3 =	sshra.s32 s17, $0x2;
	s17 =	sadd.s32 $0x200, s17;
	v24 =	vadd.f32 $-4.999999110e-01, v32;
	v29 =	vmul.f32 v33, v16;
	v30 =	vmul.f32 v31, v22  }
0x80: {  	v31 =	vld [tilespmem:s3+$0x18630];
	_ =	sdelay $0x4  }
0x81: {  	v23 =	vmul.f32 v31, v31;
	_ =	sdelay $0x1  }
0x82: {  	v32 =	vmul.f32 $1.369746540e-10, v23;
	_ =	sdelay $0x1  }
0x83: {  	v25 =	vmul.f32 v25, v20;
	v32 =	vadd.f32 $-2.475216830e-08, v32  }
0x84: {  	v28 =	vadd.f32 $-4.999999110e-01, v28;
	v27 =	vmul.f32 v27, v21;
	v33 =	vld [tilespmem:s3+$0x18600];
	v26 =	vmul.f32 v26, v22  }
0x85: {  	v34 =	vld [tilespmem:s3+$0x18610];
	v30 =	vadd.f32 $-4.999999110e-01, v30;
	v29 =	vadd.f32 $-4.999999110e-01, v29;
	v32 =	vmul.f32 v32, v23  }
0x86: {  	v63 =	vld [tilespmem:s3+$0x18620];
	v61 =	vmul.f32 v24, v20;
	v25 =	vadd.f32 $1.000000000e+00, v25;
	v62 =	vadd.f32 $1.000000000e+00, v27  }
0x87: {  	v40 =	vmul.f32 v28, v21;
	v42 =	vmul.f32 v30, v22;
	v32 =	vadd.f32 $2.753825810e-06, v32  }
0x88: {  	v26 =	vadd.f32 $1.000000000e+00, v26;
	v16 =	vmul.f32 v29, v16;
	v19 =	vmul.f32 v25, v19  }
0x89: {  	v20 =	vadd.f32 $1.000000000e+00, v61;
	v18 =	vmul.f32 v62, v18;
	v32 =	vmul.f32 v32, v23  }
0x8a: {  	v21 =	vadd.f32 $1.000000000e+00, v40;
	v44 =	vmul.f32 v33, v33;
	v45 =	vmul.f32 v34, v34  }
0x8b: {  	v17 =	vmul.f32 v26, v17;
	v47 =	vmul.f32 v63, v63;
	v32 =	vadd.f32 $-1.984064730e-04, v32  }
0x8c: {  	v22 =	vadd.f32 $1.000000000e+00, v42;
	v46 =	vmul.f32 $1.369746540e-10, v44;
	v48 =	vmul.f32 $1.369746540e-10, v45  }
0x8d: {  	v16 =	vadd.f32 $1.000000000e+00, v16;
	v49 =	vmul.f32 $1.736913170e-09, v44;
	v32 =	vmul.f32 v32, v23  }
0x8e: {  	v35 =	vmul.f32 $1.369746540e-10, v47;
	v36 =	vmul.f32 $1.736913170e-09, v45;
	v28 =	vadd.f32 $-2.475216830e-08, v46  }
0x8f: {  	v37 =	vmul.f32 $1.736913170e-09, v47;
	v50 =	vmul.f32 $1.736913170e-09, v23;
	v41 =	vadd.f32 $8.333323520e-03, v32  }
0x90: {  	v30 =	vadd.f32 $-2.475216830e-08, v48;
	v35 =	vadd.f32 $-2.475216830e-08, v35;
	v28 =	vmul.f32 v28, v44  }
0x91: {  	v36 =	vadd.f32 $-2.711337290e-07, v36;
	v37 =	vadd.f32 $-2.711337290e-07, v37;
	v43 =	vmul.f32 v41, v23  }
0x92: {  	v30 =	vmul.f32 v30, v45;
	v35 =	vmul.f32 v35, v47;
	v28 =	vadd.f32 $2.753825810e-06, v28  }
0x93: {  	v36 =	vmul.f32 v36, v45;
	v37 =	vmul.f32 v37, v47;
	v25 =	vadd.f32 $-1.666666570e-01, v43  }
0x94: {  	v30 =	vadd.f32 $2.753825810e-06, v30;
	v35 =	vadd.f32 $2.753825810e-06, v35;
	v28 =	vmul.f32 v28, v44  }
0x95: {  	v36 =	vadd.f32 $2.477342420e-05, v36;
	v37 =	vadd.f32 $2.477342420e-05, v37;
	v25 =	vmul.f32 v25, v23  }
0x96: {  	v30 =	vmul.f32 v30, v45;
	v35 =	vmul.f32 v35, v47;
	v28 =	vadd.f32 $-1.984064730e-04, v28  }
0x97: {  	v36 =	vmul.f32 v36, v45;
	v32 =	vadd.f32 $-2.711337290e-07, v49;
	v25 =	vadd.f32 $1.000000000e+00, v25  }
0x98: {  	v37 =	vmul.f32 v37, v47;
	v30 =	vadd.f32 $-1.984064730e-04, v30;
	v35 =	vadd.f32 $-1.984064730e-04, v35  }
0x99: {  	v32 =	vmul.f32 v32, v44;
	v25 =	vmul.f32 v25, v31;
	v31 =	vadd.f32 $-2.711337290e-07, v50  }
0x9a: {  	v36 =	vadd.f32 $-1.388797070e-03, v36;
	v37 =	vadd.f32 $-1.388797070e-03, v37;
	v28 =	vmul.f32 v28, v44  }
0x9b: {  	v30 =	vmul.f32 v30, v45;
	v32 =	vadd.f32 $2.477342420e-05, v32;
	v31 =	vmul.f32 v31, v23  }
0x9c: {  	v35 =	vmul.f32 v35, v47;
	v36 =	vmul.f32 v36, v45;
	v28 =	vadd.f32 $8.333323520e-03, v28  }
0x9d: {  	v30 =	vadd.f32 $8.333323520e-03, v30;
	v32 =	vmul.f32 v32, v44;
	v31 =	vadd.f32 $2.477342420e-05, v31  }
0x9e: {  	v37 =	vmul.f32 v37, v47;
	v35 =	vadd.f32 $8.333323520e-03, v35;
	v52 =	vadd.f32 $4.166652260e-02, v36  }
0x9f: {  	v28 =	vmul.f32 v28, v44;
	v32 =	vadd.f32 $-1.388797070e-03, v32;
	v31 =	vmul.f32 v31, v23  }
0xa0: {  	v54 =	vadd.f32 $4.166652260e-02, v37;
	v30 =	vmul.f32 v30, v45;
	v55 =	vmul.f32 v52, v45  }
0xa1: {  	[tilespmem:s26+$0x1A600] =	vst v20;
	v51 =	vmul.f32 v35, v47;
	v32 =	vmul.f32 v32, v44;
	v31 =	vadd.f32 $-1.388797070e-03, v31  }
0xa2: {  	[tilespmem:s26+$0x1A630] =	vst v16;
	v57 =	vmul.f32 v54, v47;
	v28 =	vadd.f32 $-1.666666570e-01, v28;
	v16 =	vadd.f32 $-4.999999110e-01, v55  }
0xa3: {  	[tilespmem:s26+$0x1A640] =	vst v19;
	v30 =	vadd.f32 $-1.666666570e-01, v30;
	v32 =	vadd.f32 $4.166652260e-02, v32;
	v53 =	vmul.f32 v31, v23  }
0xa4: {  	[tilespmem:s26+$0x1A650] =	vst v18;
	v19 =	vadd.f32 $-1.666666570e-01, v51;
	v28 =	vmul.f32 v28, v44;
	v16 =	vmul.f32 v16, v45  }
0xa5: {  	[tilespmem:s26+$0x1A660] =	vst v17;
	v30 =	vmul.f32 v30, v45;
	v17 =	vmul.f32 v32, v44;
	v18 =	vadd.f32 $4.166652260e-02, v53  }
0xa6: {  	[tilespmem:s26+$0x1A610] =	vst v21;
	v19 =	vmul.f32 v19, v47;
	v56 =	vadd.f32 $1.000000000e+00, v28;
	v16 =	vadd.f32 $1.000000000e+00, v16  }
0xa7: {  	[tilespmem:s26+$0x1A620] =	vst v22;
	v58 =	vadd.f32 $1.000000000e+00, v30;
	v17 =	vadd.f32 $-4.999999110e-01, v17;
	v18 =	vmul.f32 v18, v23  }
0xa8: {  	v60 =	vadd.f32 $-4.999999110e-01, v57;
	v19 =	vadd.f32 $1.000000000e+00, v19;
	v59 =	vmul.f32 v56, v33;
	[tilespmem:s3+$0x1A610] =	vst v16  }
0xa9: {  	v61 =	vmul.f32 v58, v34;
	[tilespmem:s3+$0x1A670] =	vst v25;
	v17 =	vmul.f32 v17, v44;
	v18 =	vadd.f32 $-4.999999110e-01, v18  }
0xaa: {  	v62 =	vmul.f32 v60, v47;
	v19 =	vmul.f32 v19, v63;
	[tilespmem:s3+$0x1A640] =	vst v59  }
0xab: {  	[tilespmem:s3+$0x1A650] =	vst v61;
	v17 =	vadd.f32 $1.000000000e+00, v17;
	v18 =	vmul.f32 v18, v23  }
0xac: {  	v63 =	vadd.f32 $1.000000000e+00, v62;
	[tilespmem:s3+$0x1A660] =	vst v19  }
0xad: {  	[tilespmem:s3+$0x1A600] =	vst v17;
	v17 =	vadd.f32 $1.000000000e+00, v18  }
0xae: {  	[tilespmem:s3+$0x1A620] =	vst v63  }
0xaf: {  	s20 =	simm.s32 $0x1A600;
	[tilespmem:s3+$0x1A630] =	vst v17  }
0xb0: {  	[spmem:s10] =	stream.linear.scatter [tilespmem:s20], [sflag:$0xA], $0x2000, $0x38;
	[tilespmem:$0x1E900] =	vst v63  }
0xb1: {  	_ =	swait.ge [sflag:s0], $0x2000  }
0xb2: {  	[sflag:s0] =	ssyncset.done $0x0  }
0xb3: {  	[sflag:s0] =	ssyncadd.s32 $0xFFFFE000  }
0xb4: {  	s21 =	simm.s32 $0x10600;
	[bflag:$0x0] =	sbarrier.arrive $0xFFFF  }
0xb5: {  	[tilespmem:s21], [sflag:$0x6] =	stream.indirect.gather [spmem:s2], $0x80, s13, s16, $0xb8;
	[tilespmem:$0x1E900] =	vst v63  }
0xb6: {  	s17 =	simm.s32 $0x12600;
	s26 =	simm.s32 $0x240  }
0xb7: {  	[tilespmem:s17], [sflag:$0x7] =	stream.indirect.gather [spmem:s2], $0x80, s26, s16, $0xb8;
	[tilespmem:$0x1E900] =	vst v63  }
0xb8: {  	s29 =	simm.s32 $0x280;
	s30 =	simm.s32 $0x14600  }
0xb9: {  	[tilespmem:s30], [sflag:$0x8] =	stream.indirect.gather [spmem:s2], $0x80, s29, s16, $0xb8;
	[tilespmem:$0x1E900] =	vst v63  }
0xba: {  	s31 =	simm.s32 $0x2C0;
	s28 =	simm.s32 $0x0;
	s26 =	simm.s32 $0x0  }
0xbb: {  	[tilespmem:s22], [sflag:$0x9] =	stream.indirect.gather [spmem:s2], $0x80, s31, s16, $0xb8;
	[tilespmem:$0x1E900] =	vst v63  }
.LBB2_4:
0xbc: {  	s3 =	sand.u32 $0x3, s28  }
0xbd: {  	s29 =	sadd.s32 $0x2, s3  }
0xbe: {  	_ =	swait.ge [sflag:s29], $0x2000  }
0xbf: {  	[sflag:s29] =	ssyncset.done $0x0  }
0xc0: {  	[sflag:s29] =	ssyncadd.s32 $0xFFFFE000  }
0xc1: {  	_ =	swait.ge [sflag:s29], $0x2000  }
0xc2: {  	s17 =	sshll.u32 s26, $0xD;
	s21 =	sshll.u32 s28, $0x6;
	[sflag:s29] =	ssyncset.done $0x0  }
0xc3: {  	s17 =	sand.u32 $0x6000, s17;
	s30 =	sadd.s32 $0x6, s3;
	[sflag:s29] =	ssyncadd.s32 $0xFFFFE000  }
0xc4: {  	s18 =	sand.u32 $0x3FFFFFC0, s21;
	s31 =	sor.u32 $0x640, s17;
	_ =	swait.ge [sflag:s30], $0x2000  }
0xc5: {  	s3 =	sor.u32 $0x8600, s17;
	s18 =	sadd.s32 $0x1C700, s18;
	[sflag:s30] =	ssyncset.done $0x0  }
0xc6: {  	s17 =	sor.u32 $0x10600, s17;
	v16 =	vmov s18;
	s18 =	simm.s32 $0x0;
	[sflag:s30] =	ssyncadd.s32 $0xFFFFE000  }
.LBB2_5:
0xc7: {  	v17 =	vmov s3;
	_ =	sdelay $0x3  }
0xc8: {  	v19 =	vmov s17;
	s19 =	simm.s32 $0x0  }
0xc9: {  	v18 =	vmov s31;
	v20 =	vld.idx.msk [tilespmem:v17+s19+$0x50 ss:$0x1], $0xffff  }
0xca: {  	v21 =	vld.idx.msk [tilespmem:v17+s19+$0x10 ss:$0x1], $0xffff  }
0xcb: {  	v22 =	vld.idx.msk [tilespmem:v17+s19+$0x0 ss:$0x1], $0xffff  }
0xcc: {  	v23 =	vld.idx.msk [tilespmem:v17+s19+$0x40 ss:$0x1], $0xffff  }
0xcd: {  	v24 =	vld.idx.msk [tilespmem:v19+s19+$0x10 ss:$0x1], $0xffff  }
0xce: {  	v25 =	vld.idx.msk [tilespmem:v18+s19+$0xFFFFFFD0 ss:$0x1], $0xffff  }
0xcf: {  	v26 =	vld.idx.msk [tilespmem:v19+s19+$0x50 ss:$0x1], $0xffff  }
0xd0: {  	v27 =	vld.idx.msk [tilespmem:v19+s19+$0x0 ss:$0x1], $0xffff  }
0xd1: {  	v28 =	vld.idx.msk [tilespmem:v18+s19+$0xFFFFFFC0 ss:$0x1], $0xffff  }
0xd2: {  	v29 =	vld.idx.msk [tilespmem:v19+s19+$0x40 ss:$0x1], $0xffff  }
0xd3: {  	v30 =	vld.idx.msk [tilespmem:v18+s19+$0x0 ss:$0x1], $0xffff  }
0xd4: {  	v31 =	vld.idx.msk [tilespmem:v18+s19+$0x10 ss:$0x1], $0xffff  }
0xd5: {  	v32 =	vld.idx.msk [tilespmem:v19+s19+$0x20 ss:$0x1], $0xffff  }
0xd6: {  	v33 =	vld.idx.msk [tilespmem:v18+s19+$0xFFFFFFE0 ss:$0x1], $0xffff  }
0xd7: {  	v34 =	vld.idx.msk [tilespmem:v19+s19+$0x60 ss:$0x1], $0xffff;
	v35 =	vmul.f32 v27, v28;
	v28 =	vmul.f32 v29, v28  }
0xd8: {  	v36 =	vld.idx.msk [tilespmem:v18+s19+$0x20 ss:$0x1], $0xffff;
	v29 =	vmul.f32 v29, v30;
	v27 =	vmul.f32 v27, v30  }
0xd9: {  	v39 =	vld.idx.msk [tilespmem:v18+s19+$0xFFFFFFF0 ss:$0x1], $0xffff;
	v37 =	vmul.f32 v24, v25;
	v38 =	vmul.f32 v26, v31  }
0xda: {  	v30 =	vld.idx.msk [tilespmem:v19+s19+$0x30 ss:$0x1], $0xffff;
	v29 =	vsub.f32 v35, v29;
	v27 =	vadd.f32 v28, v27  }
0xdb: {  	v25 =	vmul.f32 v26, v25;
	v24 =	vmul.f32 v24, v31;
	v26 =	vld.idx.msk [tilespmem:v18+s19+$0x30 ss:$0x1], $0xffff;
	v62 =	vsub.f32 v37, v38  }
0xdc: {  	v28 =	vld.idx.msk [tilespmem:v19+s19+$0x70 ss:$0x1], $0xffff;
	v22 =	vsub.f32 v29, v22;
	v23 =	vsub.f32 v27, v23  }
0xdd: {  	v24 =	vadd.f32 v25, v24;
	v25 =	vmul.f32 v32, v33;
	v27 =	vld.idx.msk [tilespmem:v17+s19+$0x20 ss:$0x1], $0xffff;
	v29 =	vmul.f32 v34, v36  }
0xde: {  	v21 =	vsub.f32 v62, v21;
	v22 =	vmul.f32 v22, v22;
	v23 =	vmul.f32 v23, v23  }
0xdf: {  	v31 =	vld.idx.msk [tilespmem:v17+s19+$0x60 ss:$0x1], $0xffff;
	v32 =	vmul.f32 v32, v36;
	v25 =	vsub.f32 v25, v29;
	v29 =	vmul.f32 v34, v33  }
0xe0: {  	v20 =	vsub.f32 v24, v20;
	v21 =	vmul.f32 v21, v21;
	v22 =	vadd.f32 v23, v22  }
0xe1: {  	v63 =	vmul.f32 v28, v26;
	v23 =	vld.idx.msk [tilespmem:v17+s19+$0x30 ss:$0x1], $0xffff;
	v24 =	vadd.f32 v29, v32;
	v29 =	vmul.f32 v30, v39  }
0xe2: {  	v20 =	vmul.f32 v20, v20;
	v21 =	vadd.f32 v21, v22;
	v22 =	vsub.f32 v25, v27  }
0xe3: {  	v28 =	vmul.f32 v28, v39;
	v26 =	vmul.f32 v30, v26;
	v25 =	vld.idx.msk [tilespmem:v17+s19+$0x70 ss:$0x1], $0xffff;
	v27 =	vsub.f32 v29, v63  }
0xe4: {  	v20 =	vadd.f32 v21, v20;
	v21 =	vsub.f32 v24, v31;
	v22 =	vmul.f32 v22, v22  }
0xe5: {  	v24 =	vadd.f32 v28, v26  }
0xe6: {  	v20 =	vadd.f32 v22, v20;
	v21 =	vmul.f32 v21, v21;
	v22 =	vsub.f32 v27, v23;
	_ =	sdelay $0x1  }
0xe7: {  	v20 =	vadd.f32 v20, v21;
	v21 =	vsub.f32 v24, v25;
	v22 =	vmul.f32 v22, v22;
	_ =	sdelay $0x1  }
0xe8: {  	v20 =	vadd.f32 v22, v20;
	v21 =	vmul.f32 v21, v21;
	_ =	sdelay $0x1  }
0xe9: {  	v20 =	vadd.f32 v20, v21  }
0xea: {  	s19 =	simm.s32 $0x1C600  }
0xeb: {  	s20 =	simm.s32 $0x80;
	[tilespmem:s19+$0x0] =	vst v20  }
0xec: {  	v20 =	vld.idx.msk [tilespmem:v17+s20+$0x50 ss:$0x1], $0xffff  }
0xed: {  	v21 =	vld.idx.msk [tilespmem:v17+s20+$0x10 ss:$0x1], $0xffff  }
0xee: {  	v22 =	vld.idx.msk [tilespmem:v17+s20+$0x0 ss:$0x1], $0xffff  }
0xef: {  	v23 =	vld.idx.msk [tilespmem:v17+s20+$0x40 ss:$0x1], $0xffff  }
0xf0: {  	v24 =	vld.idx.msk [tilespmem:v19+s20+$0x10 ss:$0x1], $0xffff  }
0xf1: {  	v25 =	vld.idx.msk [tilespmem:v18+s20+$0xFFFFFFD0 ss:$0x1], $0xffff  }
0xf2: {  	v26 =	vld.idx.msk [tilespmem:v19+s20+$0x50 ss:$0x1], $0xffff  }
0xf3: {  	v27 =	vld.idx.msk [tilespmem:v19+s20+$0x0 ss:$0x1], $0xffff  }
0xf4: {  	v29 =	vld.idx.msk [tilespmem:v18+s20+$0xFFFFFFC0 ss:$0x1], $0xffff  }
0xf5: {  	s21 =	simm.s32 $0x400;
	v28 =	vld.idx.msk [tilespmem:v19+s20+$0x40 ss:$0x1], $0xffff  }
.LBB2_6:
0xf6: {  	p1 =	sne.s32 s21, $0x1E00;
	v30 =	vld.idx.msk [tilespmem:v18+s20+$0x0 ss:$0x1], $0xffff  }
0xf7: {  	v31 =	vld.idx.msk [tilespmem:v18+s20+$0x10 ss:$0x1], $0xffff  }
0xf8: {  	v32 =	vld.idx.msk [tilespmem:v19+s20+$0x20 ss:$0x1], $0xffff  }
0xf9: {  	v33 =	vld.idx.msk [tilespmem:v18+s20+$0xFFFFFFE0 ss:$0x1], $0xffff  }
0xfa: {  	v34 =	vld.idx.msk [tilespmem:v19+s20+$0x60 ss:$0x1], $0xffff  }
0xfb: {  	v35 =	vmul.f32 v27, v29;
	v29 =	vmul.f32 v28, v29;
	v36 =	vld.idx.msk [tilespmem:v18+s20+$0x20 ss:$0x1], $0xffff  }
0xfc: {  	v28 =	vmul.f32 v28, v30;
	v27 =	vmul.f32 v27, v30;
	v30 =	vld.idx.msk [tilespmem:v19+s20+$0x30 ss:$0x1], $0xffff  }
0xfd: {  	v37 =	vmul.f32 v24, v25;
	v38 =	vmul.f32 v26, v31;
	v39 =	vld.idx.msk [tilespmem:v18+s20+$0xFFFFFFF0 ss:$0x1], $0xffff  }
0xfe: {  	v28 =	vsub.f32 v35, v28;
	v27 =	vadd.f32 v29, v27;
	v29 =	vld.idx.msk [tilespmem:v19+s20+$0x70 ss:$0x1], $0xffff  }
0xff: {  	v25 =	vmul.f32 v26, v25;
	v24 =	vmul.f32 v24, v31;
	v35 =	vsub.f32 v37, v38;
	v26 =	vld.idx.msk [tilespmem:v18+s20+$0x30 ss:$0x1], $0xffff  }
0x100: {  	v22 =	vsub.f32 v28, v22;
	v23 =	vsub.f32 v27, v23;
	v27 =	vld.idx.msk [tilespmem:v17+s20+$0x20 ss:$0x1], $0xffff  }
0x101: {  	v24 =	vadd.f32 v25, v24;
	v25 =	vmul.f32 v32, v33;
	v28 =	vmul.f32 v34, v36  }
0x102: {  	v21 =	vsub.f32 v35, v21;
	v22 =	vmul.f32 v22, v22;
	v23 =	vmul.f32 v23, v23;
	v31 =	vld.idx.msk [tilespmem:v17+s20+$0x60 ss:$0x1], $0xffff  }
0x103: {  	v32 =	vmul.f32 v32, v36;
	v25 =	vsub.f32 v25, v28;
	v28 =	vmul.f32 v34, v33  }
0x104: {  	v20 =	vsub.f32 v24, v20;
	v21 =	vmul.f32 v21, v21;
	v22 =	vadd.f32 v23, v22;
	v23 =	vld.idx.msk [tilespmem:v17+s20+$0x30 ss:$0x1], $0xffff  }
0x105: {  	v24 =	vadd.f32 v28, v32;
	v28 =	vmul.f32 v30, v39;
	v32 =	vmul.f32 v29, v26  }
0x106: {  	v20 =	vmul.f32 v20, v20;
	v21 =	vadd.f32 v21, v22;
	v22 =	vsub.f32 v25, v27;
	v25 =	vld.idx.msk [tilespmem:v17+s20+$0x70 ss:$0x1], $0xffff  }
0x107: {  	v26 =	vmul.f32 v30, v26;
	v27 =	vsub.f32 v28, v32;
	v28 =	vmul.f32 v29, v39  }
0x108: {  	v20 =	vadd.f32 v21, v20;
	v21 =	vsub.f32 v24, v31;
	v22 =	vmul.f32 v22, v22  }
0x109: {  	v24 =	vadd.f32 v28, v26  }
0x10a: {  	v20 =	vadd.f32 v22, v20;
	v21 =	vmul.f32 v21, v21;
	v22 =	vsub.f32 v27, v23;
	_ =	sdelay $0x1  }
0x10b: {  	v20 =	vadd.f32 v20, v21;
	v21 =	vsub.f32 v24, v25;
	v22 =	vmul.f32 v22, v22;
	_ =	sdelay $0x1  }
0x10c: {  	v20 =	vadd.f32 v22, v20;
	v21 =	vmul.f32 v21, v21;
	_ =	sdelay $0x1  }
0x10d: {  	v20 =	vadd.f32 v20, v21  }
0x10e: {  	s19 =	sadd.s32 $0x10, s19  }
0x10f: {  	s20 =	sshra.s32 s21, $0x2;
	[tilespmem:s19+$0x0] =	vst v20  }
0x110: {  	v20 =	vld.idx.msk [tilespmem:v17+s20+$0x50 ss:$0x1], $0xffff  }
0x111: {  	v21 =	vld.idx.msk [tilespmem:v17+s20+$0x10 ss:$0x1], $0xffff  }
0x112: {  	v22 =	vld.idx.msk [tilespmem:v17+s20+$0x0 ss:$0x1], $0xffff  }
0x113: {  	v23 =	vld.idx.msk [tilespmem:v17+s20+$0x40 ss:$0x1], $0xffff  }
0x114: {  	v24 =	vld.idx.msk [tilespmem:v19+s20+$0x10 ss:$0x1], $0xffff  }
.Ltmp1:
0x115: {  	v25 =	vld.idx.msk [tilespmem:v18+s20+$0xFFFFFFD0 ss:$0x1], $0xffff;
	(pc) =	sbr.rel @p1 .LBB2_6-.Ltmp1, $4  }
0x116: {  	v26 =	vld.idx.msk [tilespmem:v19+s20+$0x50 ss:$0x1], $0xffff  }
0x117: {  	v27 =	vld.idx.msk [tilespmem:v19+s20+$0x0 ss:$0x1], $0xffff  }
0x118: {  	v29 =	vld.idx.msk [tilespmem:v18+s20+$0xFFFFFFC0 ss:$0x1], $0xffff  }
0x119: {  	s21 =	sadd.s32 $0x200, s21;
	v28 =	vld.idx.msk [tilespmem:v19+s20+$0x40 ss:$0x1], $0xffff  }
0x11a: {  	_ =	sdelay $0x3  }
0x11b: {  	v30 =	vld.idx.msk [tilespmem:v18+s20+$0x0 ss:$0x1], $0xffff  }
0x11c: {  	v31 =	vld.idx.msk [tilespmem:v18+s20+$0x10 ss:$0x1], $0xffff  }
0x11d: {  	v32 =	vld.idx.msk [tilespmem:v19+s20+$0x20 ss:$0x1], $0xffff  }
0x11e: {  	v33 =	vld.idx.msk [tilespmem:v18+s20+$0xFFFFFFE0 ss:$0x1], $0xffff  }
0x11f: {  	v34 =	vld.idx.msk [tilespmem:v19+s20+$0x60 ss:$0x1], $0xffff;
	v35 =	vmul.f32 v27, v29;
	v60 =	vmul.f32 v28, v29  }
0x120: {  	v36 =	vld.idx.msk [tilespmem:v18+s20+$0x20 ss:$0x1], $0xffff;
	v61 =	vmul.f32 v28, v30;
	v62 =	vmul.f32 v27, v30  }
0x121: {  	v63 =	vld.idx.msk [tilespmem:v19+s20+$0x30 ss:$0x1], $0xffff;
	v37 =	vmul.f32 v24, v25;
	v38 =	vmul.f32 v26, v31  }
0x122: {  	v39 =	vld.idx.msk [tilespmem:v18+s20+$0xFFFFFFF0 ss:$0x1], $0xffff;
	v28 =	vsub.f32 v35, v61;
	v27 =	vadd.f32 v60, v62  }
0x123: {  	v19 =	vld.idx.msk [tilespmem:v19+s20+$0x70 ss:$0x1], $0xffff;
	v42 =	vmul.f32 v26, v25;
	v43 =	vmul.f32 v24, v31;
	v41 =	vsub.f32 v37, v38  }
0x124: {  	v18 =	vld.idx.msk [tilespmem:v18+s20+$0x30 ss:$0x1], $0xffff;
	v22 =	vsub.f32 v28, v22;
	v23 =	vsub.f32 v27, v23  }
0x125: {  	v44 =	vld.idx.msk [tilespmem:v17+s20+$0x20 ss:$0x1], $0xffff;
	v45 =	vmul.f32 v32, v33;
	v46 =	vmul.f32 v34, v36;
	v24 =	vadd.f32 v42, v43  }
0x126: {  	v21 =	vsub.f32 v41, v21;
	v22 =	vmul.f32 v22, v22;
	v23 =	vmul.f32 v23, v23  }
0x127: {  	v47 =	vld.idx.msk [tilespmem:v17+s20+$0x60 ss:$0x1], $0xffff;
	v48 =	vmul.f32 v34, v33;
	v49 =	vmul.f32 v32, v36;
	v25 =	vsub.f32 v45, v46  }
0x128: {  	v20 =	vsub.f32 v24, v20;
	v21 =	vmul.f32 v21, v21;
	v22 =	vadd.f32 v23, v22  }
0x129: {  	v50 =	vld.idx.msk [tilespmem:v17+s20+$0x30 ss:$0x1], $0xffff;
	v52 =	vmul.f32 v63, v39;
	v53 =	vmul.f32 v19, v18;
	v51 =	vadd.f32 v48, v49  }
0x12a: {  	v54 =	vsub.f32 v25, v44;
	v20 =	vmul.f32 v20, v20;
	v21 =	vadd.f32 v21, v22  }
0x12b: {  	v17 =	vld.idx.msk [tilespmem:v17+s20+$0x70 ss:$0x1], $0xffff;
	v19 =	vmul.f32 v19, v39;
	v18 =	vmul.f32 v63, v18;
	v55 =	vsub.f32 v52, v53  }
0x12c: {  	v56 =	vsub.f32 v51, v47;
	v22 =	vmul.f32 v54, v54;
	v20 =	vadd.f32 v21, v20  }
0x12d: {  	v18 =	vadd.f32 v19, v18  }
0x12e: {  	v58 =	vsub.f32 v55, v50;
	v57 =	vmul.f32 v56, v56;
	v19 =	vadd.f32 v22, v20;
	_ =	sdelay $0x1  }
0x12f: {  	v17 =	vsub.f32 v18, v17;
	v18 =	vmul.f32 v58, v58;
	v19 =	vadd.f32 v19, v57;
	_ =	sdelay $0x1  }
0x130: {  	v17 =	vmul.f32 v17, v17;
	v18 =	vadd.f32 v18, v19;
	_ =	sdelay $0x1  }
0x131: {  	v17 =	vadd.f32 v18, v17  }
0x132: {  	s19 =	sadd.s32 $0x10, s19  }
0x133: {  	[tilespmem:s19+$0x0] =	vst v17  }
0x134: {  	v17 =	vld.idx.msk [tilespmem:v0+s23+$0x0], $0xffff;
	_ =	sdelay $0x1  }
0x135: {  	v18 =	vld.idx.msk [tilespmem:v1+s23+$0x0], $0xffff;
	_ =	sdelay $0x1  }
0x136: {  	v19 =	vld.idx.msk [tilespmem:v2+s23+$0x0], $0xffff  }
0x137: {  	v17 =	vadd.f32 $0.0e+00, v17  }
0x138: {  	v59 =	vld.idx.msk [tilespmem:v3+s23+$0x0], $0xffff  }
0x139: {  	v17 =	vadd.f32 v18, v17  }
0x13a: {  	v18 =	vld.idx.msk [tilespmem:v4+s23+$0x0], $0xffff  }
0x13b: {  	v17 =	vadd.f32 v19, v17  }
0x13c: {  	v19 =	vld.idx.msk [tilespmem:v5+s23+$0x0], $0xffff  }
0x13d: {  	v17 =	vadd.f32 v59, v17  }
0x13e: {  	v60 =	vld.idx.msk [tilespmem:v6+s23+$0x0], $0xffff  }
0x13f: {  	v17 =	vadd.f32 v18, v17  }
0x140: {  	v18 =	vld.idx.msk [tilespmem:v7+s23+$0x0], $0xffff  }
0x141: {  	v17 =	vadd.f32 v19, v17  }
0x142: {  	v19 =	vld.idx.msk [tilespmem:v8+s23+$0x0], $0xffff  }
0x143: {  	v17 =	vadd.f32 v60, v17  }
0x144: {  	v61 =	vld.idx.msk [tilespmem:v9+s23+$0x0], $0xffff  }
0x145: {  	v17 =	vadd.f32 v18, v17  }
0x146: {  	v18 =	vld.idx.msk [tilespmem:v10+s23+$0x0], $0xffff  }
0x147: {  	v17 =	vadd.f32 v19, v17  }
0x148: {  	v19 =	vld.idx.msk [tilespmem:v11+s23+$0x0], $0xffff  }
0x149: {  	v17 =	vadd.f32 v61, v17  }
0x14a: {  	v62 =	vld.idx.msk [tilespmem:v12+s23+$0x0], $0xffff  }
0x14b: {  	v17 =	vadd.f32 v18, v17  }
0x14c: {  	v18 =	vld.idx.msk [tilespmem:v13+s23+$0x0], $0xffff  }
0x14d: {  	v17 =	vadd.f32 v19, v17  }
0x14e: {  	v19 =	vld.idx.msk [tilespmem:v14+s23+$0x0], $0xffff  }
0x14f: {  	v17 =	vadd.f32 v62, v17  }
0x150: {  	v63 =	vld.idx.msk [tilespmem:v15+s23+$0x0], $0xffff  }
0x151: {  	v17 =	vadd.f32 v18, v17;
	_ =	sdelay $0x1  }
0x152: {  	s21 =	sshll.u32 s18, $0x4;
	s18 =	sadd.s32 $0x1, s18;
	v17 =	vadd.f32 v19, v17  }
0x153: {  	p1 =	sne.s32 s18, $0x4  }
.Ltmp2:
0x154: {  	v17 =	vadd.f32 v63, v17;
	(pc) =	sbr.rel @p1 .LBB2_5-.Ltmp2, $4  }
0x155: {  	_ = 	snop  }
0x156: {  	v17 =	vsub.f32 $0.0e+00, v17  }
0x157: {  	s19 =	sand.u32 $0x3FFFFFF0, s21  }
0x158: {  	s31 =	sadd.s32 $0x800, s31;
	s3 =	sadd.s32 $0x800, s3;
	s17 =	sadd.s32 $0x800, s17;
	[tilespmem:v16+s19+$0x0 ss:$0x1] =	vst.idx.msk $0xffff, v17  }
0x159: {  	p1 =	sgt.u32 s28, $0x3  }
0x15a: {  	s3 =	sshll.u32 @!p1 s28, $0x6;
	s17 =	sshll.u32 @!p1 s28, $0xD  }
0x15b: {  	s20 =	simm.s32 @!p1 $0x40;
	s18 =	sor.u32 @!p1 $0x100, s3;
	s19 =	sor.u32 @!p1 $0x600, s17  }
0x15c: {  	[tilespmem:s19], [sflag:s29] =	stream.indirect.gather @!p1 [hbm4b:s1+s20], $0x80, s18, s20, $0xb8;
	[tilespmem:$0x1E900] =	vst v63  }
0x15d: {  	s18 =	sadd.s32 @!p1 $0x8600, s17;
	s19 =	sadd.s32 @!p1 $0x500, s3  }
0x15e: {  	[tilespmem:s18], [sflag:s29] =	stream.indirect.gather @!p1 [hbm4b:s1+s20], $0x80, s19, s20, $0xb8;
	[tilespmem:$0x1E900] =	vst v63  }
0x15f: {  	s28 =	sadd.s32 $0x1, s28;
	s17 =	sadd.s32 @!p1 $0x10600, s17;
	s3 =	sadd.s32 @!p1 $0x300, s3  }
0x160: {  	[tilespmem:s17], [sflag:s30] =	stream.indirect.gather @!p1 [spmem:s2], $0x80, s3, s20, $0xb8;
	[tilespmem:$0x1E900] =	vst v63  }
0x161: {  	p1 =	sne.s32 s28, $0x8  }
.Ltmp3:
0x162: {  	_ = 	snop;
	(pc) =	sbr.rel @p1 .LBB2_4-.Ltmp3, $2  }
0x163: {  	_ =	sdelay $0x2  }
0x164: {  	s26 =	sadd.s32 $0x1, s26  }
0x165: {  	s25 =	sadd.s32 $0x1, s25  }
0x166: {  	p1 =	sne.s32 s25, s12  }
.Ltmp4:
0x167: {  	_ = 	snop;
	(pc) =	sbr.rel @p1 .LBB2_1-.Ltmp4, $4  }
0x168: {  	[hbm4b:s11+s4] =	stream.linear.scatter [tilespmem:s24], [sflag:$0xA], $0x200, $0x38;
	[tilespmem:$0x1E900] =	vst v63  }
0x169: {  	_ =	swait.ge [sflag:s0], $0x200  }
0x16a: {  	[sflag:s0] =	ssyncset.done $0x0  }
0x16b: {  	[sflag:s0] =	ssyncadd.s32 $0xFFFFFE00  }
0x16c: {  	_ =	sfence.sel $0x180000  }
0x16d: {  	[bflag:$0x0] =	sbarrier.arrive $0xFFFF  }
0x16e: {  	_ =	strace $0x90000047  }
0x16f: {  	s0 =	stileid.u32;
	[bflag:$0x2] =	sbarrier.arrive $0xFFFF  }
0x170: {  	p0 =	sne.s32 s0, $0x0;
	s0 =	rddreg [dreg:$0x7]  }
0x171: {  	s0 =	sadd.s32 @!p0 $0x100000, s0  }
0x172: {  	[sflag:s0] =	ssyncadd.tile.s32 @!p0 $0x1;
	_ =	shalt  }
.Lfunc_end2:
_tile_overlayer_lowered:
.L_overlay_start_2:
0x173: {  	(tag) =	ssettag $0x2  }
0x174: {  	s0 =	rddreg [dreg:$0x0];
	s2 =	stileid.u32  }
0x175: {  	s1 =	rddreg [dreg:$0x1];
	p0 =	sne.s32 s2, $0x0  }
0x176: {  	s3 =	rddreg [dreg:$0x2];
	[bflag:$0x3] =	sbarrier.arrive $0xFFFF;
	s2 =	simm.s32 @!p0 $0x1C0A  }
0x177: {  	[timem:s3], [sflag:s2] =	dma.local @!p0 [hbm:s0], s1  }
0x178: {  	s0 =	simm.s32 @!p0 $0xA  }
0x179: {  	_ =	swait.ge @!p0 [sflag:s0], s1  }
0x17a: {  	s1 =	ssub.s32 @!p0 $0x0, s1;
	[sflag:s0] =	ssyncset.done @!p0 $0x0  }
0x17b: {  	[sflag:s0] =	ssyncadd.s32 @!p0 s1  }
0x17c: {  	[bflag:$0x3] =	sbarrier.arrive $0xFFFF  }
0x17d: {  	_ =	shalt  }

</sc_bundles>
